<compile_context>
chip_gen: v7x
topology: tpu7x:2x2x1
jax: 0.10.2.dev20260603
libtpu: 0.0.44.dev20260713+nightly
codegen_flags: <defaults>
</compile_context>

<pallas_src>
import functools

import jax
import jax.numpy as jnp
from jax import lax
from jax.experimental import pallas as pl
from jax.experimental.pallas import tpu as pltpu
from jax.experimental.pallas import tpu_sc as plsc

_B, _N, _DIMS, _K, _F = 2, 4096, 2, 16, 128
_QT = 512
_NC, _NS = 2, 16
_NW = _NC * _NS
_M = _B * _N * _K
_CH = 128
_CPW = _M // (_NW * _CH)


def _knn_body(pcq_ref, pcc_ref, idx_ref):
    b_id = pl.program_id(0)
    qx = pcq_ref[0, 0, :]
    qy = pcq_ref[0, 1, :]
    cx = pcc_ref[0, 0, :]
    cy = pcc_ref[0, 1, :]
    dx = qx[:, None] - cx[None, :]
    dy = qy[:, None] - cy[None, :]
    dist = dx * dx + dy * dy

    iota = lax.broadcasted_iota(jnp.int32, (_QT, _N), 1)
    big_i = jnp.int32(2 ** 30)
    inf = jnp.float32(jnp.inf)

    t_id = pl.program_id(1)
    qbase = t_id * _QT
    rowi = lax.broadcasted_iota(jnp.int32, (_QT, _N), 0) + qbase
    dist = jnp.where(iota == rowi, inf, dist)
    id_l = [lax.iota(jnp.int32, _QT) + qbase]
    for _ in range(_K - 1):
        m = jnp.min(dist, axis=1, keepdims=True)
        sel = jnp.where(dist == m, iota, big_i)
        idx = jnp.min(sel, axis=1, keepdims=True)
        onehot = sel == idx
        id_l.append(idx[:, 0])
        dist = jnp.where(onehot, inf, dist)

    nid = jnp.stack(id_l, axis=1)
    idx_ref[0] = nid + b_id * _N


def _knn(pcT):
    return pl.pallas_call(
        _knn_body,
        grid=(_B, _N // _QT),
        in_specs=[
            pl.BlockSpec((1, _DIMS, _QT), lambda b, i: (b, 0, i)),
            pl.BlockSpec((1, _DIMS, _N), lambda b, i: (b, 0, 0)),
        ],
        out_specs=pl.BlockSpec((1, _QT, _K), lambda b, i: (b, i, 0)),
        out_shape=jax.ShapeDtypeStruct((_B, _N, _K), jnp.int32),
    )(pcT, pcT)


@functools.cache
def _sc_gather():
    @functools.partial(
        pl.kernel,
        out_type=[
            jax.ShapeDtypeStruct((_M, 2 * _F), jnp.float32),
            jax.ShapeDtypeStruct((_M,), jnp.float32),
            jax.ShapeDtypeStruct((_M,), jnp.float32),
        ],
        mesh=plsc.VectorSubcoreMesh(
            core_axis_name="c", subcore_axis_name="s",
            num_cores=_NC, num_subcores=_NS,
        ),
        scratch_types=[
            pltpu.VMEM((_CH,), jnp.int32),
            pltpu.VMEM((_CH, _F), jnp.float32),
            pltpu.VMEM((2 * _B * _N,), jnp.float32),
            pltpu.VMEM((_CH,), jnp.float32),
            pltpu.VMEM((_CH,), jnp.float32),
            pltpu.SemaphoreType.DMA,
        ],
        compiler_params=pltpu.CompilerParams(needs_layout_passes=False),
    )
    def gather(tab_hbm, pc_hbm, idx_hbm, nf_hbm, npx_hbm, npy_hbm,
               idx_v, rows_v, pct_v, nx_v, ny_v, sem):
        wid = lax.axis_index("s") * _NC + lax.axis_index("c")
        pltpu.sync_copy(pc_hbm, pct_v)

        def chunk(c, _):
            row = wid * _CPW + c
            pltpu.sync_copy(idx_hbm.at[row], idx_v)
            cp1 = pltpu.async_copy(tab_hbm.at[idx_v], rows_v, sem)
            for j in range(_CH // 16):
                i16 = idx_v[pl.ds(j * 16, 16)] * 2
                nx_v[pl.ds(j * 16, 16)] = plsc.load_gather(pct_v, [i16])
                ny_v[pl.ds(j * 16, 16)] = plsc.load_gather(pct_v, [i16 + 1])
            cp1.wait()
            pltpu.sync_copy(rows_v,
                            nf_hbm.at[pl.ds(row * _CH, _CH), pl.ds(0, _F)])
            pltpu.sync_copy(nx_v, npx_hbm.at[pl.ds(row * _CH, _CH)])
            pltpu.sync_copy(ny_v, npy_hbm.at[pl.ds(row * _CH, _CH)])
            return ()

        lax.fori_loop(0, _CPW, chunk, (), unroll=False)

    return gather


def _mlp_body(pcq_ref, npx_ref, npy_ref, w_ref, b_ref, _nf_ref, r_ref):
    qx = pcq_ref[0, 0, :]
    qy = pcq_ref[0, 1, :]
    nx = npx_ref[...]
    ny = npy_ref[...]
    qxb = jnp.broadcast_to(qx[:, None], (_QT, _K))
    qyb = jnp.broadcast_to(qy[:, None], (_QT, _K))
    relx = qxb - nx
    rely = qyb - ny
    norm = jnp.sqrt(relx * relx + rely * rely + jnp.float32(1e-12))

    feats7 = (qxb, qyb, nx, ny, relx, rely, norm)
    acc = jnp.broadcast_to(b_ref[0][None, None, :], (_QT, _K, _F))
    for c in range(7):
        acc = acc + feats7[c][:, :, None] * w_ref[c][None, None, :]
    r_ref[0] = jnp.maximum(acc, jnp.float32(0.0))


def _mlp(pcT, npx, npy, W, b2, nf_full):
    qspec = pl.BlockSpec((_QT, _K), lambda b, i: (b * (_N // _QT) + i, 0))
    return pl.pallas_call(
        _mlp_body,
        grid=(_B, _N // _QT),
        in_specs=[
            pl.BlockSpec((1, _DIMS, _QT), lambda b, i: (b, 0, i)),
            qspec,
            qspec,
            pl.BlockSpec((7, _F), lambda b, i: (0, 0)),
            pl.BlockSpec((1, _F), lambda b, i: (0, 0)),
            pl.BlockSpec(memory_space=pl.ANY),
        ],
        out_specs=pl.BlockSpec((1, _QT, _K, _F), lambda b, i: (b, i, 0, 1)),
        out_shape=jax.ShapeDtypeStruct((_B, _N, _K, 2 * _F), jnp.float32),
        input_output_aliases={5: 0},
    )(pcT, npx, npy, W, b2, nf_full)


def kernel(pc, feats, W, b):
    pcT = pc.transpose(0, 2, 1)
    nid = _knn(pcT)
    tab = feats.reshape(_B * _N, _F)
    pc_flat = pc.reshape(2 * _B * _N)
    idx2 = nid.reshape(_M // _CH, _CH)
    nf_full, npx, npy = _sc_gather()(tab, pc_flat, idx2)
    return _mlp(pcT, npx.reshape(_B * _N, _K), npy.reshape(_B * _N, _K),
                W, b.reshape(1, _F),
                nf_full.reshape(_B, _N, _K, 2 * _F))

# --- scband reference (transcript-rebuilt; emitter-appended) ---
"""Pipeline reference for scband-loc-se-33612414058915 (READ-ONLY COPY).

The authoritative reference and input builder live on the scoring server;
editing this copy changes nothing except your own understanding.
"""

import jax, jax.numpy as jnp
import numpy as np

B, N, DIMS, K, UNITS, F_DIMS = 2, 4096, 2, 16, 256, 128
CH_DIMS = DIMS * 3 + 1  # 7


def setup_inputs(seed: int = 0) -> dict:
    key = jax.random.key(seed)
    k1, k2, k3 = jax.random.split(key, 3)
    pc = jax.random.normal(k1, (B, N, DIMS), dtype=jnp.float32)
    feats = jax.random.normal(k2, (B, N, F_DIMS), dtype=jnp.float32)
    # MLP params: Conv1D(units//2, kernel_size=1) over ch_dims==7 input channels
    W = jax.random.normal(k3, (CH_DIMS, UNITS // 2), dtype=jnp.float32) * 0.1
    b = jnp.zeros((UNITS // 2,), dtype=jnp.float32)
    return {"pc": pc, "feats": feats, "W": W, "b": b}


def _gather_neighbours(x, n_idx):
    # x: (B, N, C), n_idx: (B, N, K) -> (B, N, K, C)
    return jax.vmap(lambda xb, ib: xb[ib])(x, n_idx)


def reference(pc, feats, W, b):
    # brute-force exact KNN (replaces external knn.knn_batch)
    diff = pc[:, :, None, :] - pc[:, None, :, :]          # (B, N, N, dims)
    d2 = jnp.sum(diff * diff, axis=-1)                     # (B, N, N)
    _, n_idx = jax.lax.top_k(-jax.lax.stop_gradient(d2), K)  # (B, N, K), includes self
    n_idx = n_idx.astype(jnp.int32)

    n_points = _gather_neighbours(pc, n_idx)               # (B, N, K, dims)
    Kpc = jnp.repeat(pc[:, :, None, :], K, axis=2)         # (B, N, K, dims)
    relp = Kpc - n_points                                  # (B, N, K, dims)
    norms = jnp.sqrt(jnp.sum(relp * relp, axis=-1, keepdims=True) + 1e-12)
    rppe = jnp.concatenate([Kpc, n_points, relp, norms], axis=-1)  # (B, N, K, 7)

    # Conv1D with kernel size 1 == pointwise dense, then relu
    r = jax.nn.relu(jnp.einsum('bnkc,cu->bnku', rppe, W) + b)       # (B, N, K, units//2)

    n_feats = _gather_neighbours(feats, n_idx)             # (B, N, K, f_dims)
    return jnp.concatenate([n_feats, r], axis=-1)          # (B, N, K, units)

if __name__ == "__main__":
    import jax
    _d = setup_inputs()
    print(jax.jit(kernel)(*tuple(_d.values())))

</pallas_src>

<mosaic_0001>
#map = affine_map<(d0, d1) -> (0, 0)>
#map1 = affine_map<(d0, d1) -> (0)>
module attributes {stable_mosaic.version = 14 : i64} {
  func.func @gather(%arg0: i32, %arg1: i32, %arg2: memref<8192x128xf32, #tpu.memory_space<hbm>>, %arg3: memref<16384xf32, #tpu.memory_space<hbm>>, %arg4: memref<1024x128xi32, #tpu.memory_space<hbm>>, %arg5: memref<131072x256xf32, #tpu.memory_space<hbm>>, %arg6: memref<131072xf32, #tpu.memory_space<hbm>>, %arg7: memref<131072xf32, #tpu.memory_space<hbm>>, %arg8: memref<128xi32, #tpu.memory_space<vmem>>, %arg9: memref<128x128xf32, #tpu.memory_space<vmem>>, %arg10: memref<16384xf32, #tpu.memory_space<vmem>>, %arg11: memref<128xf32, #tpu.memory_space<vmem>>, %arg12: memref<128xf32, #tpu.memory_space<vmem>>, %arg13: memref<!tpu.dma_semaphore, #tpu.memory_space<semaphore_mem>>) attributes {dimension_semantics = [#tpu.dimension_semantics<core_parallel>, #tpu.dimension_semantics<subcore_parallel>], iteration_bounds = array<i64: 2, 16>, scalar_prefetch = 0 : i64, scratch_operands = 6 : i64, tpu.core_type = #tpu.core_type<sc_vector_subcore>, window_params = [{transform_indices = #map}, {transform_indices = #map1}, {transform_indices = #map}, {transform_indices = #map}, {transform_indices = #map1}, {transform_indices = #map1}]} {
    %mul3A = arith.constant 2 : i32
    %mul3A_0 = arith.muli %arg1, %mul3A : i32
    %add3A = arith.addi %mul3A_0, %arg0 : i32
    "tpu.region"() ({
      %run_scoped3A = tpu.sem_alloc : memref<!tpu.dma_semaphore, #tpu.memory_space<semaphore_mem>>
      tpu.enqueue_dma source(%arg3 : memref<16384xf32, #tpu.memory_space<hbm>>) target(%arg10 : memref<16384xf32, #tpu.memory_space<vmem>>) target_semaphore(%run_scoped3A : memref<!tpu.dma_semaphore, #tpu.memory_space<semaphore_mem>>)
      tpu.wait_dma2 semaphore(%run_scoped3A : memref<!tpu.dma_semaphore, #tpu.memory_space<semaphore_mem>>) src(%arg3 : memref<16384xf32, #tpu.memory_space<hbm>>) dst(%arg10 : memref<16384xf32, #tpu.memory_space<vmem>>)
      tpu.yield
    }) : () -> ()
    %scan3A = arith.constant 0 : i32
    %scan3A_1 = arith.constant 32 : i32
    %scan3A_2 = arith.addi %scan3A, %scan3A_1 : i32
    %scan3A_3 = arith.constant 1 : i32
    scf.for %scan3A_5 = %scan3A to %scan3A_2 step %scan3A_3  : i32 {
      %mul3A_6 = arith.constant 32 : i32
      %mul3A_7 = arith.muli %add3A, %mul3A_6 : i32
      %add3A_8 = arith.addi %mul3A_7, %scan3A_5 : i32
      "tpu.region"() ({
        %run_scoped3A = tpu.sem_alloc : memref<!tpu.dma_semaphore, #tpu.memory_space<semaphore_mem>>
        %dma_start3A_128 = arith.constant 0 : i32
        %dma_start3A_129 = tpu.memref_slice %arg4[%add3A_8, %dma_start3A_128] : memref<1024x128xi32, #tpu.memory_space<hbm>> -> memref<1x128xi32, #tpu.memory_space<hbm>>
        %dma_start3A_130 = tpu.memref_squeeze %dma_start3A_129 : memref<1x128xi32, #tpu.memory_space<hbm>> -> memref<128xi32, #tpu.memory_space<hbm>>
        %dma_start3A_131 = arith.constant 0 : i32
        %dma_start3A_132 = tpu.memref_slice %arg4[%add3A_8, %dma_start3A_131] : memref<1024x128xi32, #tpu.memory_space<hbm>> -> memref<1x128xi32, #tpu.memory_space<hbm>>
        %dma_start3A_133 = tpu.memref_squeeze %dma_start3A_132 : memref<1x128xi32, #tpu.memory_space<hbm>> -> memref<128xi32, #tpu.memory_space<hbm>>
        tpu.enqueue_dma source(%dma_start3A_133 : memref<128xi32, #tpu.memory_space<hbm>>) target(%arg8 : memref<128xi32, #tpu.memory_space<vmem>>) target_semaphore(%run_scoped3A : memref<!tpu.dma_semaphore, #tpu.memory_space<semaphore_mem>>)
        %dma_wait3A_134 = arith.constant 0 : i32
        %dma_wait3A_135 = tpu.memref_slice %arg4[%add3A_8, %dma_wait3A_134] : memref<1024x128xi32, #tpu.memory_space<hbm>> -> memref<1x128xi32, #tpu.memory_space<hbm>>
        %dma_wait3A_136 = tpu.memref_squeeze %dma_wait3A_135 : memref<1x128xi32, #tpu.memory_space<hbm>> -> memref<128xi32, #tpu.memory_space<hbm>>
        %dma_wait3A_137 = arith.constant 0 : i32
        %dma_wait3A_138 = tpu.memref_slice %arg4[%add3A_8, %dma_wait3A_137] : memref<1024x128xi32, #tpu.memory_space<hbm>> -> memref<1x128xi32, #tpu.memory_space<hbm>>
        %dma_wait3A_139 = tpu.memref_squeeze %dma_wait3A_138 : memref<1x128xi32, #tpu.memory_space<hbm>> -> memref<128xi32, #tpu.memory_space<hbm>>
        tpu.wait_dma2 semaphore(%run_scoped3A : memref<!tpu.dma_semaphore, #tpu.memory_space<semaphore_mem>>) src(%dma_wait3A_139 : memref<128xi32, #tpu.memory_space<hbm>>) dst(%arg8 : memref<128xi32, #tpu.memory_space<vmem>>)
        tpu.yield
      }) : () -> ()
      %dma_start3A = arith.constant 0 : i32
      %dma_start3A_9 = arith.constant 0 : i32
      %dma_start3A_10 = tpu.memref_slice %arg2[%dma_start3A, %dma_start3A_9] : memref<8192x128xf32, #tpu.memory_space<hbm>> -> memref<8192x128xf32, #tpu.memory_space<hbm>>
      tpu.enqueue_indirect_dma source(%dma_start3A_10 : memref<8192x128xf32, #tpu.memory_space<hbm>>) target(%arg9 : memref<128x128xf32, #tpu.memory_space<vmem>>) offsets(%arg8 : memref<128xi32, #tpu.memory_space<vmem>>) semaphore(%arg13 : memref<!tpu.dma_semaphore, #tpu.memory_space<semaphore_mem>>)
      %get3A = arith.constant 0 : index
      %get3A_11 = tpu.vector_load %arg8[%get3A] {strides = array<i32>} : memref<128xi32, #tpu.memory_space<vmem>>, vector<16xi32>,
      %mul3A_12 = arith.constant 2 : i32
      %mul3A_13 = vector.broadcast %mul3A_12 : i32 to vector<16xi32>
      %mul3A_14 = arith.muli %get3A_11, %mul3A_13 : vector<16xi32>
      %gather3A = tpu.vector_load_idx %arg10[%mul3A_14] : memref<16384xf32, #tpu.memory_space<vmem>>[vector<16xi32>], vector<16xf32>,
      %swap3A = arith.constant 0 : index
      %swap3A_15 = tpu.vector_load %arg11[%swap3A] {strides = array<i32>} : memref<128xf32, #tpu.memory_space<vmem>>, vector<16xf32>,
      tpu.vector_store %arg11[%swap3A], %gather3A {strides = array<i32>} : memref<128xf32, #tpu.memory_space<vmem>>, vector<16xf32>,
      %add3A_16 = arith.constant 1 : i32
      %add3A_17 = vector.broadcast %add3A_16 : i32 to vector<16xi32>
      %add3A_18 = arith.addi %mul3A_14, %add3A_17 : vector<16xi32>
      %gather3A_19 = tpu.vector_load_idx %arg10[%add3A_18] : memref<16384xf32, #tpu.memory_space<vmem>>[vector<16xi32>], vector<16xf32>,
      %swap3A_20 = arith.constant 0 : index
      %swap3A_21 = tpu.vector_load %arg12[%swap3A_20] {strides = array<i32>} : memref<128xf32, #tpu.memory_space<vmem>>, vector<16xf32>,
      tpu.vector_store %arg12[%swap3A_20], %gather3A_19 {strides = array<i32>} : memref<128xf32, #tpu.memory_space<vmem>>, vector<16xf32>,
      %get3A_22 = arith.constant 16 : index
      %get3A_23 = tpu.vector_load %arg8[%get3A_22] {strides = array<i32>} : memref<128xi32, #tpu.memory_space<vmem>>, vector<16xi32>,
      %mul3A_24 = arith.constant 2 : i32
      %mul3A_25 = vector.broadcast %mul3A_24 : i32 to vector<16xi32>
      %mul3A_26 = arith.muli %get3A_23, %mul3A_25 : vector<16xi32>
      %gather3A_27 = tpu.vector_load_idx %arg10[%mul3A_26] : memref<16384xf32, #tpu.memory_space<vmem>>[vector<16xi32>], vector<16xf32>,
      %swap3A_28 = arith.constant 16 : index
      %swap3A_29 = tpu.vector_load %arg11[%swap3A_28] {strides = array<i32>} : memref<128xf32, #tpu.memory_space<vmem>>, vector<16xf32>,
      tpu.vector_store %arg11[%swap3A_28], %gather3A_27 {strides = array<i32>} : memref<128xf32, #tpu.memory_space<vmem>>, vector<16xf32>,
      %add3A_30 = arith.constant 1 : i32
      %add3A_31 = vector.broadcast %add3A_30 : i32 to vector<16xi32>
      %add3A_32 = arith.addi %mul3A_26, %add3A_31 : vector<16xi32>
      %gather3A_33 = tpu.vector_load_idx %arg10[%add3A_32] : memref<16384xf32, #tpu.memory_space<vmem>>[vector<16xi32>], vector<16xf32>,
      %swap3A_34 = arith.constant 16 : index
      %swap3A_35 = tpu.vector_load %arg12[%swap3A_34] {strides = array<i32>} : memref<128xf32, #tpu.memory_space<vmem>>, vector<16xf32>,
      tpu.vector_store %arg12[%swap3A_34], %gather3A_33 {strides = array<i32>} : memref<128xf32, #tpu.memory_space<vmem>>, vector<16xf32>,
      %get3A_36 = arith.constant 32 : index
      %get3A_37 = tpu.vector_load %arg8[%get3A_36] {strides = array<i32>} : memref<128xi32, #tpu.memory_space<vmem>>, vector<16xi32>,
      %mul3A_38 = arith.constant 2 : i32
      %mul3A_39 = vector.broadcast %mul3A_38 : i32 to vector<16xi32>
      %mul3A_40 = arith.muli %get3A_37, %mul3A_39 : vector<16xi32>
      %gather3A_41 = tpu.vector_load_idx %arg10[%mul3A_40] : memref<16384xf32, #tpu.memory_space<vmem>>[vector<16xi32>], vector<16xf32>,
      %swap3A_42 = arith.constant 32 : index
      %swap3A_43 = tpu.vector_load %arg11[%swap3A_42] {strides = array<i32>} : memref<128xf32, #tpu.memory_space<vmem>>, vector<16xf32>,
      tpu.vector_store %arg11[%swap3A_42], %gather3A_41 {strides = array<i32>} : memref<128xf32, #tpu.memory_space<vmem>>, vector<16xf32>,
      %add3A_44 = arith.constant 1 : i32
      %add3A_45 = vector.broadcast %add3A_44 : i32 to vector<16xi32>
      %add3A_46 = arith.addi %mul3A_40, %add3A_45 : vector<16xi32>
      %gather3A_47 = tpu.vector_load_idx %arg10[%add3A_46] : memref<16384xf32, #tpu.memory_space<vmem>>[vector<16xi32>], vector<16xf32>,
      %swap3A_48 = arith.constant 32 : index
      %swap3A_49 = tpu.vector_load %arg12[%swap3A_48] {strides = array<i32>} : memref<128xf32, #tpu.memory_space<vmem>>, vector<16xf32>,
      tpu.vector_store %arg12[%swap3A_48], %gather3A_47 {strides = array<i32>} : memref<128xf32, #tpu.memory_space<vmem>>, vector<16xf32>,
      %get3A_50 = arith.constant 48 : index
      %get3A_51 = tpu.vector_load %arg8[%get3A_50] {strides = array<i32>} : memref<128xi32, #tpu.memory_space<vmem>>, vector<16xi32>,
      %mul3A_52 = arith.constant 2 : i32
      %mul3A_53 = vector.broadcast %mul3A_52 : i32 to vector<16xi32>
      %mul3A_54 = arith.muli %get3A_51, %mul3A_53 : vector<16xi32>
      %gather3A_55 = tpu.vector_load_idx %arg10[%mul3A_54] : memref<16384xf32, #tpu.memory_space<vmem>>[vector<16xi32>], vector<16xf32>,
      %swap3A_56 = arith.constant 48 : index
      %swap3A_57 = tpu.vector_load %arg11[%swap3A_56] {strides = array<i32>} : memref<128xf32, #tpu.memory_space<vmem>>, vector<16xf32>,
      tpu.vector_store %arg11[%swap3A_56], %gather3A_55 {strides = array<i32>} : memref<128xf32, #tpu.memory_space<vmem>>, vector<16xf32>,
      %add3A_58 = arith.constant 1 : i32
      %add3A_59 = vector.broadcast %add3A_58 : i32 to vector<16xi32>
      %add3A_60 = arith.addi %mul3A_54, %add3A_59 : vector<16xi32>
      %gather3A_61 = tpu.vector_load_idx %arg10[%add3A_60] : memref<16384xf32, #tpu.memory_space<vmem>>[vector<16xi32>], vector<16xf32>,
      %swap3A_62 = arith.constant 48 : index
      %swap3A_63 = tpu.vector_load %arg12[%swap3A_62] {strides = array<i32>} : memref<128xf32, #tpu.memory_space<vmem>>, vector<16xf32>,
      tpu.vector_store %arg12[%swap3A_62], %gather3A_61 {strides = array<i32>} : memref<128xf32, #tpu.memory_space<vmem>>, vector<16xf32>,
      %get3A_64 = arith.constant 64 : index
      %get3A_65 = tpu.vector_load %arg8[%get3A_64] {strides = array<i32>} : memref<128xi32, #tpu.memory_space<vmem>>, vector<16xi32>,
      %mul3A_66 = arith.constant 2 : i32
      %mul3A_67 = vector.broadcast %mul3A_66 : i32 to vector<16xi32>
      %mul3A_68 = arith.muli %get3A_65, %mul3A_67 : vector<16xi32>
      %gather3A_69 = tpu.vector_load_idx %arg10[%mul3A_68] : memref<16384xf32, #tpu.memory_space<vmem>>[vector<16xi32>], vector<16xf32>,
      %swap3A_70 = arith.constant 64 : index
      %swap3A_71 = tpu.vector_load %arg11[%swap3A_70] {strides = array<i32>} : memref<128xf32, #tpu.memory_space<vmem>>, vector<16xf32>,
      tpu.vector_store %arg11[%swap3A_70], %gather3A_69 {strides = array<i32>} : memref<128xf32, #tpu.memory_space<vmem>>, vector<16xf32>,
      %add3A_72 = arith.constant 1 : i32
      %add3A_73 = vector.broadcast %add3A_72 : i32 to vector<16xi32>
      %add3A_74 = arith.addi %mul3A_68, %add3A_73 : vector<16xi32>
      %gather3A_75 = tpu.vector_load_idx %arg10[%add3A_74] : memref<16384xf32, #tpu.memory_space<vmem>>[vector<16xi32>], vector<16xf32>,
      %swap3A_76 = arith.constant 64 : index
      %swap3A_77 = tpu.vector_load %arg12[%swap3A_76] {strides = array<i32>} : memref<128xf32, #tpu.memory_space<vmem>>, vector<16xf32>,
      tpu.vector_store %arg12[%swap3A_76], %gather3A_75 {strides = array<i32>} : memref<128xf32, #tpu.memory_space<vmem>>, vector<16xf32>,
      %get3A_78 = arith.constant 80 : index
      %get3A_79 = tpu.vector_load %arg8[%get3A_78] {strides = array<i32>} : memref<128xi32, #tpu.memory_space<vmem>>, vector<16xi32>,
      %mul3A_80 = arith.constant 2 : i32
      %mul3A_81 = vector.broadcast %mul3A_80 : i32 to vector<16xi32>
      %mul3A_82 = arith.muli %get3A_79, %mul3A_81 : vector<16xi32>
      %gather3A_83 = tpu.vector_load_idx %arg10[%mul3A_82] : memref<16384xf32, #tpu.memory_space<vmem>>[vector<16xi32>], vector<16xf32>,
      %swap3A_84 = arith.constant 80 : index
      %swap3A_85 = tpu.vector_load %arg11[%swap3A_84] {strides = array<i32>} : memref<128xf32, #tpu.memory_space<vmem>>, vector<16xf32>,
      tpu.vector_store %arg11[%swap3A_84], %gather3A_83 {strides = array<i32>} : memref<128xf32, #tpu.memory_space<vmem>>, vector<16xf32>,
      %add3A_86 = arith.constant 1 : i32
      %add3A_87 = vector.broadcast %add3A_86 : i32 to vector<16xi32>
      %add3A_88 = arith.addi %mul3A_82, %add3A_87 : vector<16xi32>
      %gather3A_89 = tpu.vector_load_idx %arg10[%add3A_88] : memref<16384xf32, #tpu.memory_space<vmem>>[vector<16xi32>], vector<16xf32>,
      %swap3A_90 = arith.constant 80 : index
      %swap3A_91 = tpu.vector_load %arg12[%swap3A_90] {strides = array<i32>} : memref<128xf32, #tpu.memory_space<vmem>>, vector<16xf32>,
      tpu.vector_store %arg12[%swap3A_90], %gather3A_89 {strides = array<i32>} : memref<128xf32, #tpu.memory_space<vmem>>, vector<16xf32>,
      %get3A_92 = arith.constant 96 : index
      %get3A_93 = tpu.vector_load %arg8[%get3A_92] {strides = array<i32>} : memref<128xi32, #tpu.memory_space<vmem>>, vector<16xi32>,
      %mul3A_94 = arith.constant 2 : i32
      %mul3A_95 = vector.broadcast %mul3A_94 : i32 to vector<16xi32>
      %mul3A_96 = arith.muli %get3A_93, %mul3A_95 : vector<16xi32>
      %gather3A_97 = tpu.vector_load_idx %arg10[%mul3A_96] : memref<16384xf32, #tpu.memory_space<vmem>>[vector<16xi32>], vector<16xf32>,
      %swap3A_98 = arith.constant 96 : index
      %swap3A_99 = tpu.vector_load %arg11[%swap3A_98] {strides = array<i32>} : memref<128xf32, #tpu.memory_space<vmem>>, vector<16xf32>,
      tpu.vector_store %arg11[%swap3A_98], %gather3A_97 {strides = array<i32>} : memref<128xf32, #tpu.memory_space<vmem>>, vector<16xf32>,
      %add3A_100 = arith.constant 1 : i32
      %add3A_101 = vector.broadcast %add3A_100 : i32 to vector<16xi32>
      %add3A_102 = arith.addi %mul3A_96, %add3A_101 : vector<16xi32>
      %gather3A_103 = tpu.vector_load_idx %arg10[%add3A_102] : memref<16384xf32, #tpu.memory_space<vmem>>[vector<16xi32>], vector<16xf32>,
      %swap3A_104 = arith.constant 96 : index
      %swap3A_105 = tpu.vector_load %arg12[%swap3A_104] {strides = array<i32>} : memref<128xf32, #tpu.memory_space<vmem>>, vector<16xf32>,
      tpu.vector_store %arg12[%swap3A_104], %gather3A_103 {strides = array<i32>} : memref<128xf32, #tpu.memory_space<vmem>>, vector<16xf32>,
      %get3A_106 = arith.constant 112 : index
      %get3A_107 = tpu.vector_load %arg8[%get3A_106] {strides = array<i32>} : memref<128xi32, #tpu.memory_space<vmem>>, vector<16xi32>,
      %mul3A_108 = arith.constant 2 : i32
      %mul3A_109 = vector.broadcast %mul3A_108 : i32 to vector<16xi32>
      %mul3A_110 = arith.muli %get3A_107, %mul3A_109 : vector<16xi32>
      %gather3A_111 = tpu.vector_load_idx %arg10[%mul3A_110] : memref<16384xf32, #tpu.memory_space<vmem>>[vector<16xi32>], vector<16xf32>,
      %swap3A_112 = arith.constant 112 : index
      %swap3A_113 = tpu.vector_load %arg11[%swap3A_112] {strides = array<i32>} : memref<128xf32, #tpu.memory_space<vmem>>, vector<16xf32>,
      tpu.vector_store %arg11[%swap3A_112], %gather3A_111 {strides = array<i32>} : memref<128xf32, #tpu.memory_space<vmem>>, vector<16xf32>,
      %add3A_114 = arith.constant 1 : i32
      %add3A_115 = vector.broadcast %add3A_114 : i32 to vector<16xi32>
      %add3A_116 = arith.addi %mul3A_110, %add3A_115 : vector<16xi32>
      %gather3A_117 = tpu.vector_load_idx %arg10[%add3A_116] : memref<16384xf32, #tpu.memory_space<vmem>>[vector<16xi32>], vector<16xf32>,
      %swap3A_118 = arith.constant 112 : index
      %swap3A_119 = tpu.vector_load %arg12[%swap3A_118] {strides = array<i32>} : memref<128xf32, #tpu.memory_space<vmem>>, vector<16xf32>,
      tpu.vector_store %arg12[%swap3A_118], %gather3A_117 {strides = array<i32>} : memref<128xf32, #tpu.memory_space<vmem>>, vector<16xf32>,
      %dma_wait3A = arith.constant 0 : i32
      %dma_wait3A_120 = arith.constant 0 : i32
      %dma_wait3A_121 = tpu.memref_slice %arg2[%dma_wait3A, %dma_wait3A_120] : memref<8192x128xf32, #tpu.memory_space<hbm>> -> memref<8192x128xf32, #tpu.memory_space<hbm>>
      tpu.wait_indirect_dma semaphore(%arg13 : memref<!tpu.dma_semaphore, #tpu.memory_space<semaphore_mem>>) src(%dma_wait3A_121 : memref<8192x128xf32, #tpu.memory_space<hbm>>) dst(%arg9 : memref<128x128xf32, #tpu.memory_space<vmem>>)
      %mul3A_122 = arith.constant 128 : i32
      %mul3A_123 = arith.muli %add3A_8, %mul3A_122 : i32
      "tpu.region"() ({
        %run_scoped3A = tpu.sem_alloc : memref<!tpu.dma_semaphore, #tpu.memory_space<semaphore_mem>>
        %dma_start3A_128 = arith.constant 0 : i32
        %dma_start3A_129 = tpu.memref_slice %arg5[%mul3A_123, %dma_start3A_128] : memref<131072x256xf32, #tpu.memory_space<hbm>> -> memref<128x128xf32, #tpu.memory_space<hbm>>
        %dma_start3A_130 = arith.constant 0 : i32
        %dma_start3A_131 = tpu.memref_slice %arg5[%mul3A_123, %dma_start3A_130] : memref<131072x256xf32, #tpu.memory_space<hbm>> -> memref<128x128xf32, #tpu.memory_space<hbm>>
        tpu.enqueue_dma source(%arg9 : memref<128x128xf32, #tpu.memory_space<vmem>>) target(%dma_start3A_131 : memref<128x128xf32, #tpu.memory_space<hbm>>) target_semaphore(%run_scoped3A : memref<!tpu.dma_semaphore, #tpu.memory_space<semaphore_mem>>)
        %dma_wait3A_132 = arith.constant 0 : i32
        %dma_wait3A_133 = tpu.memref_slice %arg5[%mul3A_123, %dma_wait3A_132] : memref<131072x256xf32, #tpu.memory_space<hbm>> -> memref<128x128xf32, #tpu.memory_space<hbm>>
        %dma_wait3A_134 = arith.constant 0 : i32
        %dma_wait3A_135 = tpu.memref_slice %arg5[%mul3A_123, %dma_wait3A_134] : memref<131072x256xf32, #tpu.memory_space<hbm>> -> memref<128x128xf32, #tpu.memory_space<hbm>>
        tpu.wait_dma2 semaphore(%run_scoped3A : memref<!tpu.dma_semaphore, #tpu.memory_space<semaphore_mem>>) src(%arg9 : memref<128x128xf32, #tpu.memory_space<vmem>>) dst(%dma_wait3A_135 : memref<128x128xf32, #tpu.memory_space<hbm>>)
        tpu.yield
      }) : () -> ()
      %mul3A_124 = arith.constant 128 : i32
      %mul3A_125 = arith.muli %add3A_8, %mul3A_124 : i32
      "tpu.region"() ({
        %run_scoped3A = tpu.sem_alloc : memref<!tpu.dma_semaphore, #tpu.memory_space<semaphore_mem>>
        %dma_start3A_128 = tpu.memref_slice %arg6[%mul3A_125] : memref<131072xf32, #tpu.memory_space<hbm>> -> memref<128xf32, #tpu.memory_space<hbm>>
        %dma_start3A_129 = tpu.memref_slice %arg6[%mul3A_125] : memref<131072xf32, #tpu.memory_space<hbm>> -> memref<128xf32, #tpu.memory_space<hbm>>
        tpu.enqueue_dma source(%arg11 : memref<128xf32, #tpu.memory_space<vmem>>) target(%dma_start3A_129 : memref<128xf32, #tpu.memory_space<hbm>>) target_semaphore(%run_scoped3A : memref<!tpu.dma_semaphore, #tpu.memory_space<semaphore_mem>>)
        %dma_wait3A_130 = tpu.memref_slice %arg6[%mul3A_125] : memref<131072xf32, #tpu.memory_space<hbm>> -> memref<128xf32, #tpu.memory_space<hbm>>
        %dma_wait3A_131 = tpu.memref_slice %arg6[%mul3A_125] : memref<131072xf32, #tpu.memory_space<hbm>> -> memref<128xf32, #tpu.memory_space<hbm>>
        tpu.wait_dma2 semaphore(%run_scoped3A : memref<!tpu.dma_semaphore, #tpu.memory_space<semaphore_mem>>) src(%arg11 : memref<128xf32, #tpu.memory_space<vmem>>) dst(%dma_wait3A_131 : memref<128xf32, #tpu.memory_space<hbm>>)
        tpu.yield
      }) : () -> ()
      %mul3A_126 = arith.constant 128 : i32
      %mul3A_127 = arith.muli %add3A_8, %mul3A_126 : i32
      "tpu.region"() ({
        %run_scoped3A = tpu.sem_alloc : memref<!tpu.dma_semaphore, #tpu.memory_space<semaphore_mem>>
        %dma_start3A_128 = tpu.memref_slice %arg7[%mul3A_127] : memref<131072xf32, #tpu.memory_space<hbm>> -> memref<128xf32, #tpu.memory_space<hbm>>
        %dma_start3A_129 = tpu.memref_slice %arg7[%mul3A_127] : memref<131072xf32, #tpu.memory_space<hbm>> -> memref<128xf32, #tpu.memory_space<hbm>>
        tpu.enqueue_dma source(%arg12 : memref<128xf32, #tpu.memory_space<vmem>>) target(%dma_start3A_129 : memref<128xf32, #tpu.memory_space<hbm>>) target_semaphore(%run_scoped3A : memref<!tpu.dma_semaphore, #tpu.memory_space<semaphore_mem>>)
        %dma_wait3A_130 = tpu.memref_slice %arg7[%mul3A_127] : memref<131072xf32, #tpu.memory_space<hbm>> -> memref<128xf32, #tpu.memory_space<hbm>>
        %dma_wait3A_131 = tpu.memref_slice %arg7[%mul3A_127] : memref<131072xf32, #tpu.memory_space<hbm>> -> memref<128xf32, #tpu.memory_space<hbm>>
        tpu.wait_dma2 semaphore(%run_scoped3A : memref<!tpu.dma_semaphore, #tpu.memory_space<semaphore_mem>>) src(%arg12 : memref<128xf32, #tpu.memory_space<vmem>>) dst(%dma_wait3A_131 : memref<128xf32, #tpu.memory_space<hbm>>)
        tpu.yield
      }) : () -> ()
    }
    %scan3A_4 = arith.constant 32 : i32
    return
  }
}

module attributes {stable_mosaic.version = 14 : i64} {
  func.func @_knn_body(%arg0: i32, %arg1: i32, %arg2: memref<1x2x512xf32, #tpu.memory_space<vmem>>, %arg3: memref<1x2x4096xf32, #tpu.memory_space<vmem>>, %arg4: memref<1x512x16xi32, #tpu.memory_space<vmem>>) attributes {dimension_semantics = [#tpu.dimension_semantics<arbitrary>, #tpu.dimension_semantics<arbitrary>], iteration_bounds = array<i64: 2, 8>, scalar_prefetch = 0 : i64, scratch_operands = 0 : i64, tpu.core_type = #tpu.core_type<tc>, window_params = [{transform_indices = @transform_0, window_bounds = array<i64: 1, 2, 512>}, {transform_indices = @transform_1, window_bounds = array<i64: 1, 2, 4096>}, {transform_indices = @transform_2, window_bounds = array<i64: 1, 512, 16>}]} {
    %get3A = arith.constant 0 : index
    %get3A_0 = arith.constant 0 : index
    %get3A_1 = arith.constant 0 : index
    %get3A_2 = vector.load %arg2[%get3A, %get3A_0, %get3A_1] : memref<1x2x512xf32, #tpu.memory_space<vmem>>, vector<1x1x512xf32>
    %get3A_3 = vector.shape_cast %get3A_2 : vector<1x1x512xf32> to vector<512xf32>
    %get3A_4 = arith.constant 0 : index
    %get3A_5 = arith.constant 1 : index
    %get3A_6 = arith.constant 0 : index
    %get3A_7 = vector.load %arg2[%get3A_4, %get3A_5, %get3A_6] : memref<1x2x512xf32, #tpu.memory_space<vmem>>, vector<1x1x512xf32>
    %get3A_8 = vector.shape_cast %get3A_7 : vector<1x1x512xf32> to vector<512xf32>
    %get3A_9 = arith.constant 0 : index
    %get3A_10 = arith.constant 0 : index
    %get3A_11 = arith.constant 0 : index
    %get3A_12 = vector.load %arg3[%get3A_9, %get3A_10, %get3A_11] : memref<1x2x4096xf32, #tpu.memory_space<vmem>>, vector<1x1x4096xf32>
    %get3A_13 = vector.shape_cast %get3A_12 : vector<1x1x4096xf32> to vector<4096xf32>
    %get3A_14 = arith.constant 0 : index
    %get3A_15 = arith.constant 1 : index
    %get3A_16 = arith.constant 0 : index
    %get3A_17 = vector.load %arg3[%get3A_14, %get3A_15, %get3A_16] : memref<1x2x4096xf32, #tpu.memory_space<vmem>>, vector<1x1x4096xf32>
    %get3A_18 = vector.shape_cast %get3A_17 : vector<1x1x4096xf32> to vector<4096xf32>
    %broadcast_in_dim3A = vector.shape_cast %get3A_3 : vector<512xf32> to vector<512x1xf32>
    %broadcast_in_dim3A_19 = vector.shape_cast %get3A_13 : vector<4096xf32> to vector<1x4096xf32>
    %sub3A = vector.broadcast %broadcast_in_dim3A : vector<512x1xf32> to vector<512x4096xf32>
    %sub3A_20 = vector.broadcast %broadcast_in_dim3A_19 : vector<1x4096xf32> to vector<512x4096xf32>
    %sub3A_21 = arith.subf %sub3A, %sub3A_20 : vector<512x4096xf32>
    %broadcast_in_dim3A_22 = vector.shape_cast %get3A_8 : vector<512xf32> to vector<512x1xf32>
    %broadcast_in_dim3A_23 = vector.shape_cast %get3A_18 : vector<4096xf32> to vector<1x4096xf32>
    %sub3A_24 = vector.broadcast %broadcast_in_dim3A_22 : vector<512x1xf32> to vector<512x4096xf32>
    %sub3A_25 = vector.broadcast %broadcast_in_dim3A_23 : vector<1x4096xf32> to vector<512x4096xf32>
    %sub3A_26 = arith.subf %sub3A_24, %sub3A_25 : vector<512x4096xf32>
    %mul3A = arith.mulf %sub3A_21, %sub3A_21 : vector<512x4096xf32>
    %mul3A_27 = arith.mulf %sub3A_26, %sub3A_26 : vector<512x4096xf32>
    %add3A = arith.addf %mul3A, %mul3A_27 : vector<512x4096xf32>
    %iota3A = tpu.iota {dimensions = array<i32: 1>} : vector<512x4096xi32>
    %mul3A_28 = arith.constant 512 : i32
    %mul3A_29 = arith.muli %arg1, %mul3A_28 : i32
    %iota3A_30 = tpu.iota {dimensions = array<i32: 0>} : vector<512x4096xi32>
    %add3A_31 = vector.broadcast %mul3A_29 : i32 to vector<512x4096xi32>
    %add3A_32 = arith.addi %iota3A_30, %add3A_31 : vector<512x4096xi32>
    %eq3A = arith.cmpi eq, %iota3A, %add3A_32 : vector<512x4096xi32>
    %jit3A = arith.constant 0x7F800000 : f32
    %broadcast_in_dim3A_33 = vector.broadcast %jit3A : f32 to vector<512x4096xf32>
    %select_n3A = arith.select %eq3A, %broadcast_in_dim3A_33, %add3A : vector<512x4096xi1>, vector<512x4096xf32>
    %iota3A_34 = tpu.iota {dimensions = array<i32: 1>} : vector<1x512xi32>
    %iota3A_35 = vector.shape_cast %iota3A_34 : vector<1x512xi32> to vector<512xi32>
    %add3A_36 = vector.broadcast %mul3A_29 : i32 to vector<512xi32>
    %add3A_37 = arith.addi %iota3A_35, %add3A_36 : vector<512xi32>
    %reduce_min3A = arith.constant dense<0x7F800000> : vector<512xf32>
    %reduce_min3A_38 = vector.multi_reduction <minimumf>, %select_n3A, %reduce_min3A [1] : vector<512x4096xf32> to vector<512xf32>
    %broadcast_in_dim3A_39 = vector.shape_cast %reduce_min3A_38 : vector<512xf32> to vector<512x1xf32>
    %eq3A_40 = vector.broadcast %broadcast_in_dim3A_39 : vector<512x1xf32> to vector<512x4096xf32>
    %eq3A_41 = arith.cmpf oeq, %select_n3A, %eq3A_40 : vector<512x4096xf32>
    %jit3A_42 = arith.constant 1073741824 : i32
    %broadcast_in_dim3A_43 = vector.broadcast %jit3A_42 : i32 to vector<512x4096xi32>
    %select_n3A_44 = arith.select %eq3A_41, %iota3A, %broadcast_in_dim3A_43 : vector<512x4096xi1>, vector<512x4096xi32>
    %reduce_min3A_45 = arith.constant dense<2147483647> : vector<512xi32>
    %reduce_min3A_46 = vector.multi_reduction <minsi>, %select_n3A_44, %reduce_min3A_45 [1] : vector<512x4096xi32> to vector<512xi32>
    %broadcast_in_dim3A_47 = vector.shape_cast %reduce_min3A_46 : vector<512xi32> to vector<512x1xi32>
    %eq3A_48 = vector.broadcast %broadcast_in_dim3A_47 : vector<512x1xi32> to vector<512x4096xi32>
    %eq3A_49 = arith.cmpi eq, %select_n3A_44, %eq3A_48 : vector<512x4096xi32>
    %squeeze3A = vector.shape_cast %broadcast_in_dim3A_47 : vector<512x1xi32> to vector<512xi32>
    %jit3A_50 = arith.constant 0x7F800000 : f32
    %broadcast_in_dim3A_51 = vector.broadcast %jit3A_50 : f32 to vector<512x4096xf32>
    %select_n3A_52 = arith.select %eq3A_49, %broadcast_in_dim3A_51, %select_n3A : vector<512x4096xi1>, vector<512x4096xf32>
    %reduce_min3A_53 = arith.constant dense<0x7F800000> : vector<512xf32>
    %reduce_min3A_54 = vector.multi_reduction <minimumf>, %select_n3A_52, %reduce_min3A_53 [1] : vector<512x4096xf32> to vector<512xf32>
    %broadcast_in_dim3A_55 = vector.shape_cast %reduce_min3A_54 : vector<512xf32> to vector<512x1xf32>
    %eq3A_56 = vector.broadcast %broadcast_in_dim3A_55 : vector<512x1xf32> to vector<512x4096xf32>
    %eq3A_57 = arith.cmpf oeq, %select_n3A_52, %eq3A_56 : vector<512x4096xf32>
    %jit3A_58 = arith.constant 1073741824 : i32
    %broadcast_in_dim3A_59 = vector.broadcast %jit3A_58 : i32 to vector<512x4096xi32>
    %select_n3A_60 = arith.select %eq3A_57, %iota3A, %broadcast_in_dim3A_59 : vector<512x4096xi1>, vector<512x4096xi32>
    %reduce_min3A_61 = arith.constant dense<2147483647> : vector<512xi32>
    %reduce_min3A_62 = vector.multi_reduction <minsi>, %select_n3A_60, %reduce_min3A_61 [1] : vector<512x4096xi32> to vector<512xi32>
    %broadcast_in_dim3A_63 = vector.shape_cast %reduce_min3A_62 : vector<512xi32> to vector<512x1xi32>
    %eq3A_64 = vector.broadcast %broadcast_in_dim3A_63 : vector<512x1xi32> to vector<512x4096xi32>
    %eq3A_65 = arith.cmpi eq, %select_n3A_60, %eq3A_64 : vector<512x4096xi32>
    %squeeze3A_66 = vector.shape_cast %broadcast_in_dim3A_63 : vector<512x1xi32> to vector<512xi32>
    %jit3A_67 = arith.constant 0x7F800000 : f32
    %broadcast_in_dim3A_68 = vector.broadcast %jit3A_67 : f32 to vector<512x4096xf32>
    %select_n3A_69 = arith.select %eq3A_65, %broadcast_in_dim3A_68, %select_n3A_52 : vector<512x4096xi1>, vector<512x4096xf32>
    %reduce_min3A_70 = arith.constant dense<0x7F800000> : vector<512xf32>
    %reduce_min3A_71 = vector.multi_reduction <minimumf>, %select_n3A_69, %reduce_min3A_70 [1] : vector<512x4096xf32> to vector<512xf32>
    %broadcast_in_dim3A_72 = vector.shape_cast %reduce_min3A_71 : vector<512xf32> to vector<512x1xf32>
    %eq3A_73 = vector.broadcast %broadcast_in_dim3A_72 : vector<512x1xf32> to vector<512x4096xf32>
    %eq3A_74 = arith.cmpf oeq, %select_n3A_69, %eq3A_73 : vector<512x4096xf32>
    %jit3A_75 = arith.constant 1073741824 : i32
    %broadcast_in_dim3A_76 = vector.broadcast %jit3A_75 : i32 to vector<512x4096xi32>
    %select_n3A_77 = arith.select %eq3A_74, %iota3A, %broadcast_in_dim3A_76 : vector<512x4096xi1>, vector<512x4096xi32>
    %reduce_min3A_78 = arith.constant dense<2147483647> : vector<512xi32>
    %reduce_min3A_79 = vector.multi_reduction <minsi>, %select_n3A_77, %reduce_min3A_78 [1] : vector<512x4096xi32> to vector<512xi32>
    %broadcast_in_dim3A_80 = vector.shape_cast %reduce_min3A_79 : vector<512xi32> to vector<512x1xi32>
    %eq3A_81 = vector.broadcast %broadcast_in_dim3A_80 : vector<512x1xi32> to vector<512x4096xi32>
    %eq3A_82 = arith.cmpi eq, %select_n3A_77, %eq3A_81 : vector<512x4096xi32>
    %squeeze3A_83 = vector.shape_cast %broadcast_in_dim3A_80 : vector<512x1xi32> to vector<512xi32>
    %jit3A_84 = arith.constant 0x7F800000 : f32
    %broadcast_in_dim3A_85 = vector.broadcast %jit3A_84 : f32 to vector<512x4096xf32>
    %select_n3A_86 = arith.select %eq3A_82, %broadcast_in_dim3A_85, %select_n3A_69 : vector<512x4096xi1>, vector<512x4096xf32>
    %reduce_min3A_87 = arith.constant dense<0x7F800000> : vector<512xf32>
    %reduce_min3A_88 = vector.multi_reduction <minimumf>, %select_n3A_86, %reduce_min3A_87 [1] : vector<512x4096xf32> to vector<512xf32>
    %broadcast_in_dim3A_89 = vector.shape_cast %reduce_min3A_88 : vector<512xf32> to vector<512x1xf32>
    %eq3A_90 = vector.broadcast %broadcast_in_dim3A_89 : vector<512x1xf32> to vector<512x4096xf32>
    %eq3A_91 = arith.cmpf oeq, %select_n3A_86, %eq3A_90 : vector<512x4096xf32>
    %jit3A_92 = arith.constant 1073741824 : i32
    %broadcast_in_dim3A_93 = vector.broadcast %jit3A_92 : i32 to vector<512x4096xi32>
    %select_n3A_94 = arith.select %eq3A_91, %iota3A, %broadcast_in_dim3A_93 : vector<512x4096xi1>, vector<512x4096xi32>
    %reduce_min3A_95 = arith.constant dense<2147483647> : vector<512xi32>
    %reduce_min3A_96 = vector.multi_reduction <minsi>, %select_n3A_94, %reduce_min3A_95 [1] : vector<512x4096xi32> to vector<512xi32>
    %broadcast_in_dim3A_97 = vector.shape_cast %reduce_min3A_96 : vector<512xi32> to vector<512x1xi32>
    %eq3A_98 = vector.broadcast %broadcast_in_dim3A_97 : vector<512x1xi32> to vector<512x4096xi32>
    %eq3A_99 = arith.cmpi eq, %select_n3A_94, %eq3A_98 : vector<512x4096xi32>
    %squeeze3A_100 = vector.shape_cast %broadcast_in_dim3A_97 : vector<512x1xi32> to vector<512xi32>
    %jit3A_101 = arith.constant 0x7F800000 : f32
    %broadcast_in_dim3A_102 = vector.broadcast %jit3A_101 : f32 to vector<512x4096xf32>
    %select_n3A_103 = arith.select %eq3A_99, %broadcast_in_dim3A_102, %select_n3A_86 : vector<512x4096xi1>, vector<512x4096xf32>
    %reduce_min3A_104 = arith.constant dense<0x7F800000> : vector<512xf32>
    %reduce_min3A_105 = vector.multi_reduction <minimumf>, %select_n3A_103, %reduce_min3A_104 [1] : vector<512x4096xf32> to vector<512xf32>
    %broadcast_in_dim3A_106 = vector.shape_cast %reduce_min3A_105 : vector<512xf32> to vector<512x1xf32>
    %eq3A_107 = vector.broadcast %broadcast_in_dim3A_106 : vector<512x1xf32> to vector<512x4096xf32>
    %eq3A_108 = arith.cmpf oeq, %select_n3A_103, %eq3A_107 : vector<512x4096xf32>
    %jit3A_109 = arith.constant 1073741824 : i32
    %broadcast_in_dim3A_110 = vector.broadcast %jit3A_109 : i32 to vector<512x4096xi32>
    %select_n3A_111 = arith.select %eq3A_108, %iota3A, %broadcast_in_dim3A_110 : vector<512x4096xi1>, vector<512x4096xi32>
    %reduce_min3A_112 = arith.constant dense<2147483647> : vector<512xi32>
    %reduce_min3A_113 = vector.multi_reduction <minsi>, %select_n3A_111, %reduce_min3A_112 [1] : vector<512x4096xi32> to vector<512xi32>
    %broadcast_in_dim3A_114 = vector.shape_cast %reduce_min3A_113 : vector<512xi32> to vector<512x1xi32>
    %eq3A_115 = vector.broadcast %broadcast_in_dim3A_114 : vector<512x1xi32> to vector<512x4096xi32>
    %eq3A_116 = arith.cmpi eq, %select_n3A_111, %eq3A_115 : vector<512x4096xi32>
    %squeeze3A_117 = vector.shape_cast %broadcast_in_dim3A_114 : vector<512x1xi32> to vector<512xi32>
    %jit3A_118 = arith.constant 0x7F800000 : f32
    %broadcast_in_dim3A_119 = vector.broadcast %jit3A_118 : f32 to vector<512x4096xf32>
    %select_n3A_120 = arith.select %eq3A_116, %broadcast_in_dim3A_119, %select_n3A_103 : vector<512x4096xi1>, vector<512x4096xf32>
    %reduce_min3A_121 = arith.constant dense<0x7F800000> : vector<512xf32>
    %reduce_min3A_122 = vector.multi_reduction <minimumf>, %select_n3A_120, %reduce_min3A_121 [1] : vector<512x4096xf32> to vector<512xf32>
    %broadcast_in_dim3A_123 = vector.shape_cast %reduce_min3A_122 : vector<512xf32> to vector<512x1xf32>
    %eq3A_124 = vector.broadcast %broadcast_in_dim3A_123 : vector<512x1xf32> to vector<512x4096xf32>
    %eq3A_125 = arith.cmpf oeq, %select_n3A_120, %eq3A_124 : vector<512x4096xf32>
    %jit3A_126 = arith.constant 1073741824 : i32
    %broadcast_in_dim3A_127 = vector.broadcast %jit3A_126 : i32 to vector<512x4096xi32>
    %select_n3A_128 = arith.select %eq3A_125, %iota3A, %broadcast_in_dim3A_127 : vector<512x4096xi1>, vector<512x4096xi32>
    %reduce_min3A_129 = arith.constant dense<2147483647> : vector<512xi32>
    %reduce_min3A_130 = vector.multi_reduction <minsi>, %select_n3A_128, %reduce_min3A_129 [1] : vector<512x4096xi32> to vector<512xi32>
    %broadcast_in_dim3A_131 = vector.shape_cast %reduce_min3A_130 : vector<512xi32> to vector<512x1xi32>
    %eq3A_132 = vector.broadcast %broadcast_in_dim3A_131 : vector<512x1xi32> to vector<512x4096xi32>
    %eq3A_133 = arith.cmpi eq, %select_n3A_128, %eq3A_132 : vector<512x4096xi32>
    %squeeze3A_134 = vector.shape_cast %broadcast_in_dim3A_131 : vector<512x1xi32> to vector<512xi32>
    %jit3A_135 = arith.constant 0x7F800000 : f32
    %broadcast_in_dim3A_136 = vector.broadcast %jit3A_135 : f32 to vector<512x4096xf32>
    %select_n3A_137 = arith.select %eq3A_133, %broadcast_in_dim3A_136, %select_n3A_120 : vector<512x4096xi1>, vector<512x4096xf32>
    %reduce_min3A_138 = arith.constant dense<0x7F800000> : vector<512xf32>
    %reduce_min3A_139 = vector.multi_reduction <minimumf>, %select_n3A_137, %reduce_min3A_138 [1] : vector<512x4096xf32> to vector<512xf32>
    %broadcast_in_dim3A_140 = vector.shape_cast %reduce_min3A_139 : vector<512xf32> to vector<512x1xf32>
    %eq3A_141 = vector.broadcast %broadcast_in_dim3A_140 : vector<512x1xf32> to vector<512x4096xf32>
    %eq3A_142 = arith.cmpf oeq, %select_n3A_137, %eq3A_141 : vector<512x4096xf32>
    %jit3A_143 = arith.constant 1073741824 : i32
    %broadcast_in_dim3A_144 = vector.broadcast %jit3A_143 : i32 to vector<512x4096xi32>
    %select_n3A_145 = arith.select %eq3A_142, %iota3A, %broadcast_in_dim3A_144 : vector<512x4096xi1>, vector<512x4096xi32>
    %reduce_min3A_146 = arith.constant dense<2147483647> : vector<512xi32>
    %reduce_min3A_147 = vector.multi_reduction <minsi>, %select_n3A_145, %reduce_min3A_146 [1] : vector<512x4096xi32> to vector<512xi32>
    %broadcast_in_dim3A_148 = vector.shape_cast %reduce_min3A_147 : vector<512xi32> to vector<512x1xi32>
    %eq3A_149 = vector.broadcast %broadcast_in_dim3A_148 : vector<512x1xi32> to vector<512x4096xi32>
    %eq3A_150 = arith.cmpi eq, %select_n3A_145, %eq3A_149 : vector<512x4096xi32>
    %squeeze3A_151 = vector.shape_cast %broadcast_in_dim3A_148 : vector<512x1xi32> to vector<512xi32>
    %jit3A_152 = arith.constant 0x7F800000 : f32
    %broadcast_in_dim3A_153 = vector.broadcast %jit3A_152 : f32 to vector<512x4096xf32>
    %select_n3A_154 = arith.select %eq3A_150, %broadcast_in_dim3A_153, %select_n3A_137 : vector<512x4096xi1>, vector<512x4096xf32>
    %reduce_min3A_155 = arith.constant dense<0x7F800000> : vector<512xf32>
    %reduce_min3A_156 = vector.multi_reduction <minimumf>, %select_n3A_154, %reduce_min3A_155 [1] : vector<512x4096xf32> to vector<512xf32>
    %broadcast_in_dim3A_157 = vector.shape_cast %reduce_min3A_156 : vector<512xf32> to vector<512x1xf32>
    %eq3A_158 = vector.broadcast %broadcast_in_dim3A_157 : vector<512x1xf32> to vector<512x4096xf32>
    %eq3A_159 = arith.cmpf oeq, %select_n3A_154, %eq3A_158 : vector<512x4096xf32>
    %jit3A_160 = arith.constant 1073741824 : i32
    %broadcast_in_dim3A_161 = vector.broadcast %jit3A_160 : i32 to vector<512x4096xi32>
    %select_n3A_162 = arith.select %eq3A_159, %iota3A, %broadcast_in_dim3A_161 : vector<512x4096xi1>, vector<512x4096xi32>
    %reduce_min3A_163 = arith.constant dense<2147483647> : vector<512xi32>
    %reduce_min3A_164 = vector.multi_reduction <minsi>, %select_n3A_162, %reduce_min3A_163 [1] : vector<512x4096xi32> to vector<512xi32>
    %broadcast_in_dim3A_165 = vector.shape_cast %reduce_min3A_164 : vector<512xi32> to vector<512x1xi32>
    %eq3A_166 = vector.broadcast %broadcast_in_dim3A_165 : vector<512x1xi32> to vector<512x4096xi32>
    %eq3A_167 = arith.cmpi eq, %select_n3A_162, %eq3A_166 : vector<512x4096xi32>
    %squeeze3A_168 = vector.shape_cast %broadcast_in_dim3A_165 : vector<512x1xi32> to vector<512xi32>
    %jit3A_169 = arith.constant 0x7F800000 : f32
    %broadcast_in_dim3A_170 = vector.broadcast %jit3A_169 : f32 to vector<512x4096xf32>
    %select_n3A_171 = arith.select %eq3A_167, %broadcast_in_dim3A_170, %select_n3A_154 : vector<512x4096xi1>, vector<512x4096xf32>
    %reduce_min3A_172 = arith.constant dense<0x7F800000> : vector<512xf32>
    %reduce_min3A_173 = vector.multi_reduction <minimumf>, %select_n3A_171, %reduce_min3A_172 [1] : vector<512x4096xf32> to vector<512xf32>
    %broadcast_in_dim3A_174 = vector.shape_cast %reduce_min3A_173 : vector<512xf32> to vector<512x1xf32>
    %eq3A_175 = vector.broadcast %broadcast_in_dim3A_174 : vector<512x1xf32> to vector<512x4096xf32>
    %eq3A_176 = arith.cmpf oeq, %select_n3A_171, %eq3A_175 : vector<512x4096xf32>
    %jit3A_177 = arith.constant 1073741824 : i32
    %broadcast_in_dim3A_178 = vector.broadcast %jit3A_177 : i32 to vector<512x4096xi32>
    %select_n3A_179 = arith.select %eq3A_176, %iota3A, %broadcast_in_dim3A_178 : vector<512x4096xi1>, vector<512x4096xi32>
    %reduce_min3A_180 = arith.constant dense<2147483647> : vector<512xi32>
    %reduce_min3A_181 = vector.multi_reduction <minsi>, %select_n3A_179, %reduce_min3A_180 [1] : vector<512x4096xi32> to vector<512xi32>
    %broadcast_in_dim3A_182 = vector.shape_cast %reduce_min3A_181 : vector<512xi32> to vector<512x1xi32>
    %eq3A_183 = vector.broadcast %broadcast_in_dim3A_182 : vector<512x1xi32> to vector<512x4096xi32>
    %eq3A_184 = arith.cmpi eq, %select_n3A_179, %eq3A_183 : vector<512x4096xi32>
    %squeeze3A_185 = vector.shape_cast %broadcast_in_dim3A_182 : vector<512x1xi32> to vector<512xi32>
    %jit3A_186 = arith.constant 0x7F800000 : f32
    %broadcast_in_dim3A_187 = vector.broadcast %jit3A_186 : f32 to vector<512x4096xf32>
    %select_n3A_188 = arith.select %eq3A_184, %broadcast_in_dim3A_187, %select_n3A_171 : vector<512x4096xi1>, vector<512x4096xf32>
    %reduce_min3A_189 = arith.constant dense<0x7F800000> : vector<512xf32>
    %reduce_min3A_190 = vector.multi_reduction <minimumf>, %select_n3A_188, %reduce_min3A_189 [1] : vector<512x4096xf32> to vector<512xf32>
    %broadcast_in_dim3A_191 = vector.shape_cast %reduce_min3A_190 : vector<512xf32> to vector<512x1xf32>
    %eq3A_192 = vector.broadcast %broadcast_in_dim3A_191 : vector<512x1xf32> to vector<512x4096xf32>
    %eq3A_193 = arith.cmpf oeq, %select_n3A_188, %eq3A_192 : vector<512x4096xf32>
    %jit3A_194 = arith.constant 1073741824 : i32
    %broadcast_in_dim3A_195 = vector.broadcast %jit3A_194 : i32 to vector<512x4096xi32>
    %select_n3A_196 = arith.select %eq3A_193, %iota3A, %broadcast_in_dim3A_195 : vector<512x4096xi1>, vector<512x4096xi32>
    %reduce_min3A_197 = arith.constant dense<2147483647> : vector<512xi32>
    %reduce_min3A_198 = vector.multi_reduction <minsi>, %select_n3A_196, %reduce_min3A_197 [1] : vector<512x4096xi32> to vector<512xi32>
    %broadcast_in_dim3A_199 = vector.shape_cast %reduce_min3A_198 : vector<512xi32> to vector<512x1xi32>
    %eq3A_200 = vector.broadcast %broadcast_in_dim3A_199 : vector<512x1xi32> to vector<512x4096xi32>
    %eq3A_201 = arith.cmpi eq, %select_n3A_196, %eq3A_200 : vector<512x4096xi32>
    %squeeze3A_202 = vector.shape_cast %broadcast_in_dim3A_199 : vector<512x1xi32> to vector<512xi32>
    %jit3A_203 = arith.constant 0x7F800000 : f32
    %broadcast_in_dim3A_204 = vector.broadcast %jit3A_203 : f32 to vector<512x4096xf32>
    %select_n3A_205 = arith.select %eq3A_201, %broadcast_in_dim3A_204, %select_n3A_188 : vector<512x4096xi1>, vector<512x4096xf32>
    %reduce_min3A_206 = arith.constant dense<0x7F800000> : vector<512xf32>
    %reduce_min3A_207 = vector.multi_reduction <minimumf>, %select_n3A_205, %reduce_min3A_206 [1] : vector<512x4096xf32> to vector<512xf32>
    %broadcast_in_dim3A_208 = vector.shape_cast %reduce_min3A_207 : vector<512xf32> to vector<512x1xf32>
    %eq3A_209 = vector.broadcast %broadcast_in_dim3A_208 : vector<512x1xf32> to vector<512x4096xf32>
    %eq3A_210 = arith.cmpf oeq, %select_n3A_205, %eq3A_209 : vector<512x4096xf32>
    %jit3A_211 = arith.constant 1073741824 : i32
    %broadcast_in_dim3A_212 = vector.broadcast %jit3A_211 : i32 to vector<512x4096xi32>
    %select_n3A_213 = arith.select %eq3A_210, %iota3A, %broadcast_in_dim3A_212 : vector<512x4096xi1>, vector<512x4096xi32>
    %reduce_min3A_214 = arith.constant dense<2147483647> : vector<512xi32>
    %reduce_min3A_215 = vector.multi_reduction <minsi>, %select_n3A_213, %reduce_min3A_214 [1] : vector<512x4096xi32> to vector<512xi32>
    %broadcast_in_dim3A_216 = vector.shape_cast %reduce_min3A_215 : vector<512xi32> to vector<512x1xi32>
    %eq3A_217 = vector.broadcast %broadcast_in_dim3A_216 : vector<512x1xi32> to vector<512x4096xi32>
    %eq3A_218 = arith.cmpi eq, %select_n3A_213, %eq3A_217 : vector<512x4096xi32>
    %squeeze3A_219 = vector.shape_cast %broadcast_in_dim3A_216 : vector<512x1xi32> to vector<512xi32>
    %jit3A_220 = arith.constant 0x7F800000 : f32
    %broadcast_in_dim3A_221 = vector.broadcast %jit3A_220 : f32 to vector<512x4096xf32>
    %select_n3A_222 = arith.select %eq3A_218, %broadcast_in_dim3A_221, %select_n3A_205 : vector<512x4096xi1>, vector<512x4096xf32>
    %reduce_min3A_223 = arith.constant dense<0x7F800000> : vector<512xf32>
    %reduce_min3A_224 = vector.multi_reduction <minimumf>, %select_n3A_222, %reduce_min3A_223 [1] : vector<512x4096xf32> to vector<512xf32>
    %broadcast_in_dim3A_225 = vector.shape_cast %reduce_min3A_224 : vector<512xf32> to vector<512x1xf32>
    %eq3A_226 = vector.broadcast %broadcast_in_dim3A_225 : vector<512x1xf32> to vector<512x4096xf32>
    %eq3A_227 = arith.cmpf oeq, %select_n3A_222, %eq3A_226 : vector<512x4096xf32>
    %jit3A_228 = arith.constant 1073741824 : i32
    %broadcast_in_dim3A_229 = vector.broadcast %jit3A_228 : i32 to vector<512x4096xi32>
    %select_n3A_230 = arith.select %eq3A_227, %iota3A, %broadcast_in_dim3A_229 : vector<512x4096xi1>, vector<512x4096xi32>
    %reduce_min3A_231 = arith.constant dense<2147483647> : vector<512xi32>
    %reduce_min3A_232 = vector.multi_reduction <minsi>, %select_n3A_230, %reduce_min3A_231 [1] : vector<512x4096xi32> to vector<512xi32>
    %broadcast_in_dim3A_233 = vector.shape_cast %reduce_min3A_232 : vector<512xi32> to vector<512x1xi32>
    %eq3A_234 = vector.broadcast %broadcast_in_dim3A_233 : vector<512x1xi32> to vector<512x4096xi32>
    %eq3A_235 = arith.cmpi eq, %select_n3A_230, %eq3A_234 : vector<512x4096xi32>
    %squeeze3A_236 = vector.shape_cast %broadcast_in_dim3A_233 : vector<512x1xi32> to vector<512xi32>
    %jit3A_237 = arith.constant 0x7F800000 : f32
    %broadcast_in_dim3A_238 = vector.broadcast %jit3A_237 : f32 to vector<512x4096xf32>
    %select_n3A_239 = arith.select %eq3A_235, %broadcast_in_dim3A_238, %select_n3A_222 : vector<512x4096xi1>, vector<512x4096xf32>
    %reduce_min3A_240 = arith.constant dense<0x7F800000> : vector<512xf32>
    %reduce_min3A_241 = vector.multi_reduction <minimumf>, %select_n3A_239, %reduce_min3A_240 [1] : vector<512x4096xf32> to vector<512xf32>
    %broadcast_in_dim3A_242 = vector.shape_cast %reduce_min3A_241 : vector<512xf32> to vector<512x1xf32>
    %eq3A_243 = vector.broadcast %broadcast_in_dim3A_242 : vector<512x1xf32> to vector<512x4096xf32>
    %eq3A_244 = arith.cmpf oeq, %select_n3A_239, %eq3A_243 : vector<512x4096xf32>
    %jit3A_245 = arith.constant 1073741824 : i32
    %broadcast_in_dim3A_246 = vector.broadcast %jit3A_245 : i32 to vector<512x4096xi32>
    %select_n3A_247 = arith.select %eq3A_244, %iota3A, %broadcast_in_dim3A_246 : vector<512x4096xi1>, vector<512x4096xi32>
    %reduce_min3A_248 = arith.constant dense<2147483647> : vector<512xi32>
    %reduce_min3A_249 = vector.multi_reduction <minsi>, %select_n3A_247, %reduce_min3A_248 [1] : vector<512x4096xi32> to vector<512xi32>
    %broadcast_in_dim3A_250 = vector.shape_cast %reduce_min3A_249 : vector<512xi32> to vector<512x1xi32>
    %eq3A_251 = vector.broadcast %broadcast_in_dim3A_250 : vector<512x1xi32> to vector<512x4096xi32>
    %eq3A_252 = arith.cmpi eq, %select_n3A_247, %eq3A_251 : vector<512x4096xi32>
    %squeeze3A_253 = vector.shape_cast %broadcast_in_dim3A_250 : vector<512x1xi32> to vector<512xi32>
    %jit3A_254 = arith.constant 0x7F800000 : f32
    %broadcast_in_dim3A_255 = vector.broadcast %jit3A_254 : f32 to vector<512x4096xf32>
    %select_n3A_256 = arith.select %eq3A_252, %broadcast_in_dim3A_255, %select_n3A_239 : vector<512x4096xi1>, vector<512x4096xf32>
    %reduce_min3A_257 = arith.constant dense<0x7F800000> : vector<512xf32>
    %reduce_min3A_258 = vector.multi_reduction <minimumf>, %select_n3A_256, %reduce_min3A_257 [1] : vector<512x4096xf32> to vector<512xf32>
    %broadcast_in_dim3A_259 = vector.shape_cast %reduce_min3A_258 : vector<512xf32> to vector<512x1xf32>
    %eq3A_260 = vector.broadcast %broadcast_in_dim3A_259 : vector<512x1xf32> to vector<512x4096xf32>
    %eq3A_261 = arith.cmpf oeq, %select_n3A_256, %eq3A_260 : vector<512x4096xf32>
    %jit3A_262 = arith.constant 1073741824 : i32
    %broadcast_in_dim3A_263 = vector.broadcast %jit3A_262 : i32 to vector<512x4096xi32>
    %select_n3A_264 = arith.select %eq3A_261, %iota3A, %broadcast_in_dim3A_263 : vector<512x4096xi1>, vector<512x4096xi32>
    %reduce_min3A_265 = arith.constant dense<2147483647> : vector<512xi32>
    %reduce_min3A_266 = vector.multi_reduction <minsi>, %select_n3A_264, %reduce_min3A_265 [1] : vector<512x4096xi32> to vector<512xi32>
    %broadcast_in_dim3A_267 = vector.shape_cast %reduce_min3A_266 : vector<512xi32> to vector<512x1xi32>
    %eq3A_268 = vector.broadcast %broadcast_in_dim3A_267 : vector<512x1xi32> to vector<512x4096xi32>
    %eq3A_269 = arith.cmpi eq, %select_n3A_264, %eq3A_268 : vector<512x4096xi32>
    %squeeze3A_270 = vector.shape_cast %broadcast_in_dim3A_267 : vector<512x1xi32> to vector<512xi32>
    %jit3A_271 = arith.constant 0x7F800000 : f32
    %broadcast_in_dim3A_272 = vector.broadcast %jit3A_271 : f32 to vector<512x4096xf32>
    %select_n3A_273 = arith.select %eq3A_269, %broadcast_in_dim3A_272, %select_n3A_256 : vector<512x4096xi1>, vector<512x4096xf32>
    %reduce_min3A_274 = arith.constant dense<0x7F800000> : vector<512xf32>
    %reduce_min3A_275 = vector.multi_reduction <minimumf>, %select_n3A_273, %reduce_min3A_274 [1] : vector<512x4096xf32> to vector<512xf32>
    %broadcast_in_dim3A_276 = vector.shape_cast %reduce_min3A_275 : vector<512xf32> to vector<512x1xf32>
    %eq3A_277 = vector.broadcast %broadcast_in_dim3A_276 : vector<512x1xf32> to vector<512x4096xf32>
    %eq3A_278 = arith.cmpf oeq, %select_n3A_273, %eq3A_277 : vector<512x4096xf32>
    %jit3A_279 = arith.constant 1073741824 : i32
    %broadcast_in_dim3A_280 = vector.broadcast %jit3A_279 : i32 to vector<512x4096xi32>
    %select_n3A_281 = arith.select %eq3A_278, %iota3A, %broadcast_in_dim3A_280 : vector<512x4096xi1>, vector<512x4096xi32>
    %reduce_min3A_282 = arith.constant dense<2147483647> : vector<512xi32>
    %reduce_min3A_283 = vector.multi_reduction <minsi>, %select_n3A_281, %reduce_min3A_282 [1] : vector<512x4096xi32> to vector<512xi32>
    %broadcast_in_dim3A_284 = vector.shape_cast %reduce_min3A_283 : vector<512xi32> to vector<512x1xi32>
    %squeeze3A_285 = vector.shape_cast %broadcast_in_dim3A_284 : vector<512x1xi32> to vector<512xi32>
    %stack3A = vector.shape_cast %add3A_37 : vector<512xi32> to vector<512x1xi32>
    %stack3A_286 = vector.shape_cast %squeeze3A : vector<512xi32> to vector<512x1xi32>
    %stack3A_287 = vector.shape_cast %squeeze3A_66 : vector<512xi32> to vector<512x1xi32>
    %stack3A_288 = vector.shape_cast %squeeze3A_83 : vector<512xi32> to vector<512x1xi32>
    %stack3A_289 = vector.shape_cast %squeeze3A_100 : vector<512xi32> to vector<512x1xi32>
    %stack3A_290 = vector.shape_cast %squeeze3A_117 : vector<512xi32> to vector<512x1xi32>
    %stack3A_291 = vector.shape_cast %squeeze3A_134 : vector<512xi32> to vector<512x1xi32>
    %stack3A_292 = vector.shape_cast %squeeze3A_151 : vector<512xi32> to vector<512x1xi32>
    %stack3A_293 = vector.shape_cast %squeeze3A_168 : vector<512xi32> to vector<512x1xi32>
    %stack3A_294 = vector.shape_cast %squeeze3A_185 : vector<512xi32> to vector<512x1xi32>
    %stack3A_295 = vector.shape_cast %squeeze3A_202 : vector<512xi32> to vector<512x1xi32>
    %stack3A_296 = vector.shape_cast %squeeze3A_219 : vector<512xi32> to vector<512x1xi32>
    %stack3A_297 = vector.shape_cast %squeeze3A_236 : vector<512xi32> to vector<512x1xi32>
    %stack3A_298 = vector.shape_cast %squeeze3A_253 : vector<512xi32> to vector<512x1xi32>
    %stack3A_299 = vector.shape_cast %squeeze3A_270 : vector<512xi32> to vector<512x1xi32>
    %stack3A_300 = vector.shape_cast %squeeze3A_285 : vector<512xi32> to vector<512x1xi32>
    %stack3A_301 = tpu.concatenate %stack3A, %stack3A_286, %stack3A_287, %stack3A_288, %stack3A_289, %stack3A_290, %stack3A_291, %stack3A_292, %stack3A_293, %stack3A_294, %stack3A_295, %stack3A_296, %stack3A_297, %stack3A_298, %stack3A_299, %stack3A_300 in 1 : vector<512x1xi32>, vector<512x1xi32>, vector<512x1xi32>, vector<512x1xi32>, vector<512x1xi32>, vector<512x1xi32>, vector<512x1xi32>, vector<512x1xi32>, vector<512x1xi32>, vector<512x1xi32>, vector<512x1xi32>, vector<512x1xi32>, vector<512x1xi32>, vector<512x1xi32>, vector<512x1xi32>, vector<512x1xi32> -> vector<512x16xi32>
    %mul3A_302 = arith.constant 4096 : i32
    %mul3A_303 = arith.muli %arg0, %mul3A_302 : i32
    %add3A_304 = vector.broadcast %mul3A_303 : i32 to vector<512x16xi32>
    %add3A_305 = arith.addi %stack3A_301, %add3A_304 : vector<512x16xi32>
    %swap3A = arith.constant 0 : index
    %swap3A_306 = arith.constant 0 : index
    %swap3A_307 = arith.constant 0 : index
    %swap3A_308 = vector.load %arg4[%swap3A, %swap3A_306, %swap3A_307] : memref<1x512x16xi32, #tpu.memory_space<vmem>>, vector<1x512x16xi32>
    %swap3A_309 = vector.shape_cast %swap3A_308 : vector<1x512x16xi32> to vector<512x16xi32>
    %swap3A_310 = vector.shape_cast %add3A_305 : vector<512x16xi32> to vector<1x512x16xi32>
    tpu.vector_store %arg4[%swap3A, %swap3A_306, %swap3A_307], %swap3A_310 {strides = array<i32>} : memref<1x512x16xi32, #tpu.memory_space<vmem>>, vector<1x512x16xi32>,
    return
  }
  func.func @transform_0(%arg0: i32, %arg1: i32) -> (i32, i32, i32) {
    %c0_i32 = arith.constant 0 : i32
    %c0_i32_0 = arith.constant 0 : i32
    return %arg0, %c0_i32, %arg1 : i32, i32, i32
  }
  func.func @transform_1(%arg0: i32, %arg1: i32) -> (i32, i32, i32) {
    %c0_i32 = arith.constant 0 : i32
    %c0_i32_0 = arith.constant 0 : i32
    %c0_i32_1 = arith.constant 0 : i32
    return %arg0, %c0_i32, %c0_i32_0 : i32, i32, i32
  }
  func.func @transform_2(%arg0: i32, %arg1: i32) -> (i32, i32, i32) {
    %c0_i32 = arith.constant 0 : i32
    %c0_i32_0 = arith.constant 0 : i32
    return %arg0, %arg1, %c0_i32 : i32, i32, i32
  }
}

module attributes {stable_mosaic.version = 14 : i64} {
  func.func @_mlp_body(%arg0: i32, %arg1: i32, %arg2: memref<1x2x512xf32, #tpu.memory_space<vmem>>, %arg3: memref<512x16xf32, #tpu.memory_space<vmem>>, %arg4: memref<512x16xf32, #tpu.memory_space<vmem>>, %arg5: memref<7x128xf32, #tpu.memory_space<vmem>>, %arg6: memref<1x128xf32, #tpu.memory_space<vmem>>, %arg7: memref<2x4096x16x256xf32, #tpu.memory_space<any>>, %arg8: memref<1x512x16x128xf32, #tpu.memory_space<vmem>>) attributes {dimension_semantics = [#tpu.dimension_semantics<arbitrary>, #tpu.dimension_semantics<arbitrary>], iteration_bounds = array<i64: 2, 8>, scalar_prefetch = 0 : i64, scratch_operands = 0 : i64, tpu.core_type = #tpu.core_type<tc>, window_params = [{transform_indices = @transform_0, window_bounds = array<i64: 1, 2, 512>}, {transform_indices = @transform_1, window_bounds = array<i64: 512, 16>}, {transform_indices = @transform_2, window_bounds = array<i64: 512, 16>}, {pipeline_mode = #tpu.pipeline_mode<synchronous>, transform_indices = @transform_3, window_bounds = array<i64: 7, 128>}, {pipeline_mode = #tpu.pipeline_mode<synchronous>, transform_indices = @transform_4, window_bounds = array<i64: 1, 128>}, {}, {transform_indices = @transform_6, window_bounds = array<i64: 1, 512, 16, 128>}]} {
    %get3A = arith.constant 0 : index
    %get3A_0 = arith.constant 0 : index
    %get3A_1 = arith.constant 0 : index
    %get3A_2 = vector.load %arg2[%get3A, %get3A_0, %get3A_1] : memref<1x2x512xf32, #tpu.memory_space<vmem>>, vector<1x1x512xf32>
    %get3A_3 = vector.shape_cast %get3A_2 : vector<1x1x512xf32> to vector<512xf32>
    %get3A_4 = arith.constant 0 : index
    %get3A_5 = arith.constant 1 : index
    %get3A_6 = arith.constant 0 : index
    %get3A_7 = vector.load %arg2[%get3A_4, %get3A_5, %get3A_6] : memref<1x2x512xf32, #tpu.memory_space<vmem>>, vector<1x1x512xf32>
    %get3A_8 = vector.shape_cast %get3A_7 : vector<1x1x512xf32> to vector<512xf32>
    %get3A_9 = arith.constant 0 : index
    %get3A_10 = arith.constant 0 : index
    %get3A_11 = vector.load %arg3[%get3A_9, %get3A_10] : memref<512x16xf32, #tpu.memory_space<vmem>>, vector<512x16xf32>
    %get3A_12 = arith.constant 0 : index
    %get3A_13 = arith.constant 0 : index
    %get3A_14 = vector.load %arg4[%get3A_12, %get3A_13] : memref<512x16xf32, #tpu.memory_space<vmem>>, vector<512x16xf32>
    %broadcast_in_dim3A = vector.shape_cast %get3A_3 : vector<512xf32> to vector<512x1xf32>
    %broadcast_in_dim3A_15 = vector.shape_cast %broadcast_in_dim3A : vector<512x1xf32> to vector<512x1xf32>
    %broadcast_in_dim3A_16 = vector.broadcast %broadcast_in_dim3A_15 : vector<512x1xf32> to vector<512x16xf32>
    %broadcast_in_dim3A_17 = vector.shape_cast %get3A_8 : vector<512xf32> to vector<512x1xf32>
    %broadcast_in_dim3A_18 = vector.shape_cast %broadcast_in_dim3A_17 : vector<512x1xf32> to vector<512x1xf32>
    %broadcast_in_dim3A_19 = vector.broadcast %broadcast_in_dim3A_18 : vector<512x1xf32> to vector<512x16xf32>
    %sub3A = arith.subf %broadcast_in_dim3A_16, %get3A_11 : vector<512x16xf32>
    %sub3A_20 = arith.subf %broadcast_in_dim3A_19, %get3A_14 : vector<512x16xf32>
    %mul3A = arith.mulf %sub3A, %sub3A : vector<512x16xf32>
    %mul3A_21 = arith.mulf %sub3A_20, %sub3A_20 : vector<512x16xf32>
    %add3A = arith.addf %mul3A, %mul3A_21 : vector<512x16xf32>
    %add3A_22 = arith.constant 9.99999996E-13 : f32
    %add3A_23 = vector.broadcast %add3A_22 : f32 to vector<512x16xf32>
    %add3A_24 = arith.addf %add3A, %add3A_23 : vector<512x16xf32>
    %sqrt3A = math.sqrt %add3A_24 : vector<512x16xf32>
    %get3A_25 = arith.constant 0 : index
    %get3A_26 = arith.constant 0 : index
    %get3A_27 = vector.load %arg6[%get3A_25, %get3A_26] : memref<1x128xf32, #tpu.memory_space<vmem>>, vector<1x128xf32>
    %get3A_28 = vector.shape_cast %get3A_27 : vector<1x128xf32> to vector<128xf32>
    %broadcast_in_dim3A_29 = vector.shape_cast %get3A_28 : vector<128xf32> to vector<1x1x128xf32>
    %broadcast_in_dim3A_30 = vector.shape_cast %broadcast_in_dim3A_29 : vector<1x1x128xf32> to vector<1x1x128xf32>
    %broadcast_in_dim3A_31 = vector.broadcast %broadcast_in_dim3A_30 : vector<1x1x128xf32> to vector<512x16x128xf32>
    %broadcast_in_dim3A_32 = vector.shape_cast %broadcast_in_dim3A_16 : vector<512x16xf32> to vector<512x16x1xf32>
    %get3A_33 = arith.constant 0 : index
    %get3A_34 = arith.constant 0 : index
    %get3A_35 = vector.load %arg5[%get3A_33, %get3A_34] : memref<7x128xf32, #tpu.memory_space<vmem>>, vector<1x128xf32>
    %get3A_36 = vector.shape_cast %get3A_35 : vector<1x128xf32> to vector<128xf32>
    %broadcast_in_dim3A_37 = vector.shape_cast %get3A_36 : vector<128xf32> to vector<1x1x128xf32>
    %mul3A_38 = vector.broadcast %broadcast_in_dim3A_32 : vector<512x16x1xf32> to vector<512x16x128xf32>
    %mul3A_39 = vector.broadcast %broadcast_in_dim3A_37 : vector<1x1x128xf32> to vector<512x16x128xf32>
    %mul3A_40 = arith.mulf %mul3A_38, %mul3A_39 : vector<512x16x128xf32>
    %add3A_41 = arith.addf %broadcast_in_dim3A_31, %mul3A_40 : vector<512x16x128xf32>
    %broadcast_in_dim3A_42 = vector.shape_cast %broadcast_in_dim3A_19 : vector<512x16xf32> to vector<512x16x1xf32>
    %get3A_43 = arith.constant 1 : index
    %get3A_44 = arith.constant 0 : index
    %get3A_45 = vector.load %arg5[%get3A_43, %get3A_44] : memref<7x128xf32, #tpu.memory_space<vmem>>, vector<1x128xf32>
    %get3A_46 = vector.shape_cast %get3A_45 : vector<1x128xf32> to vector<128xf32>
    %broadcast_in_dim3A_47 = vector.shape_cast %get3A_46 : vector<128xf32> to vector<1x1x128xf32>
    %mul3A_48 = vector.broadcast %broadcast_in_dim3A_42 : vector<512x16x1xf32> to vector<512x16x128xf32>
    %mul3A_49 = vector.broadcast %broadcast_in_dim3A_47 : vector<1x1x128xf32> to vector<512x16x128xf32>
    %mul3A_50 = arith.mulf %mul3A_48, %mul3A_49 : vector<512x16x128xf32>
    %add3A_51 = arith.addf %add3A_41, %mul3A_50 : vector<512x16x128xf32>
    %broadcast_in_dim3A_52 = vector.shape_cast %get3A_11 : vector<512x16xf32> to vector<512x16x1xf32>
    %get3A_53 = arith.constant 2 : index
    %get3A_54 = arith.constant 0 : index
    %get3A_55 = vector.load %arg5[%get3A_53, %get3A_54] : memref<7x128xf32, #tpu.memory_space<vmem>>, vector<1x128xf32>
    %get3A_56 = vector.shape_cast %get3A_55 : vector<1x128xf32> to vector<128xf32>
    %broadcast_in_dim3A_57 = vector.shape_cast %get3A_56 : vector<128xf32> to vector<1x1x128xf32>
    %mul3A_58 = vector.broadcast %broadcast_in_dim3A_52 : vector<512x16x1xf32> to vector<512x16x128xf32>
    %mul3A_59 = vector.broadcast %broadcast_in_dim3A_57 : vector<1x1x128xf32> to vector<512x16x128xf32>
    %mul3A_60 = arith.mulf %mul3A_58, %mul3A_59 : vector<512x16x128xf32>
    %add3A_61 = arith.addf %add3A_51, %mul3A_60 : vector<512x16x128xf32>
    %broadcast_in_dim3A_62 = vector.shape_cast %get3A_14 : vector<512x16xf32> to vector<512x16x1xf32>
    %get3A_63 = arith.constant 3 : index
    %get3A_64 = arith.constant 0 : index
    %get3A_65 = vector.load %arg5[%get3A_63, %get3A_64] : memref<7x128xf32, #tpu.memory_space<vmem>>, vector<1x128xf32>
    %get3A_66 = vector.shape_cast %get3A_65 : vector<1x128xf32> to vector<128xf32>
    %broadcast_in_dim3A_67 = vector.shape_cast %get3A_66 : vector<128xf32> to vector<1x1x128xf32>
    %mul3A_68 = vector.broadcast %broadcast_in_dim3A_62 : vector<512x16x1xf32> to vector<512x16x128xf32>
    %mul3A_69 = vector.broadcast %broadcast_in_dim3A_67 : vector<1x1x128xf32> to vector<512x16x128xf32>
    %mul3A_70 = arith.mulf %mul3A_68, %mul3A_69 : vector<512x16x128xf32>
    %add3A_71 = arith.addf %add3A_61, %mul3A_70 : vector<512x16x128xf32>
    %broadcast_in_dim3A_72 = vector.shape_cast %sub3A : vector<512x16xf32> to vector<512x16x1xf32>
    %get3A_73 = arith.constant 4 : index
    %get3A_74 = arith.constant 0 : index
    %get3A_75 = vector.load %arg5[%get3A_73, %get3A_74] : memref<7x128xf32, #tpu.memory_space<vmem>>, vector<1x128xf32>
    %get3A_76 = vector.shape_cast %get3A_75 : vector<1x128xf32> to vector<128xf32>
    %broadcast_in_dim3A_77 = vector.shape_cast %get3A_76 : vector<128xf32> to vector<1x1x128xf32>
    %mul3A_78 = vector.broadcast %broadcast_in_dim3A_72 : vector<512x16x1xf32> to vector<512x16x128xf32>
    %mul3A_79 = vector.broadcast %broadcast_in_dim3A_77 : vector<1x1x128xf32> to vector<512x16x128xf32>
    %mul3A_80 = arith.mulf %mul3A_78, %mul3A_79 : vector<512x16x128xf32>
    %add3A_81 = arith.addf %add3A_71, %mul3A_80 : vector<512x16x128xf32>
    %broadcast_in_dim3A_82 = vector.shape_cast %sub3A_20 : vector<512x16xf32> to vector<512x16x1xf32>
    %get3A_83 = arith.constant 5 : index
    %get3A_84 = arith.constant 0 : index
    %get3A_85 = vector.load %arg5[%get3A_83, %get3A_84] : memref<7x128xf32, #tpu.memory_space<vmem>>, vector<1x128xf32>
    %get3A_86 = vector.shape_cast %get3A_85 : vector<1x128xf32> to vector<128xf32>
    %broadcast_in_dim3A_87 = vector.shape_cast %get3A_86 : vector<128xf32> to vector<1x1x128xf32>
    %mul3A_88 = vector.broadcast %broadcast_in_dim3A_82 : vector<512x16x1xf32> to vector<512x16x128xf32>
    %mul3A_89 = vector.broadcast %broadcast_in_dim3A_87 : vector<1x1x128xf32> to vector<512x16x128xf32>
    %mul3A_90 = arith.mulf %mul3A_88, %mul3A_89 : vector<512x16x128xf32>
    %add3A_91 = arith.addf %add3A_81, %mul3A_90 : vector<512x16x128xf32>
    %broadcast_in_dim3A_92 = vector.shape_cast %sqrt3A : vector<512x16xf32> to vector<512x16x1xf32>
    %get3A_93 = arith.constant 6 : index
    %get3A_94 = arith.constant 0 : index
    %get3A_95 = vector.load %arg5[%get3A_93, %get3A_94] : memref<7x128xf32, #tpu.memory_space<vmem>>, vector<1x128xf32>
    %get3A_96 = vector.shape_cast %get3A_95 : vector<1x128xf32> to vector<128xf32>
    %broadcast_in_dim3A_97 = vector.shape_cast %get3A_96 : vector<128xf32> to vector<1x1x128xf32>
    %mul3A_98 = vector.broadcast %broadcast_in_dim3A_92 : vector<512x16x1xf32> to vector<512x16x128xf32>
    %mul3A_99 = vector.broadcast %broadcast_in_dim3A_97 : vector<1x1x128xf32> to vector<512x16x128xf32>
    %mul3A_100 = arith.mulf %mul3A_98, %mul3A_99 : vector<512x16x128xf32>
    %add3A_101 = arith.addf %add3A_91, %mul3A_100 : vector<512x16x128xf32>
    %max3A = arith.constant 0.000000e+00 : f32
    %max3A_102 = vector.broadcast %max3A : f32 to vector<512x16x128xf32>
    %max3A_103 = arith.maximumf %add3A_101, %max3A_102 : vector<512x16x128xf32>
    %swap3A = arith.constant 0 : index
    %swap3A_104 = arith.constant 0 : index
    %swap3A_105 = arith.constant 0 : index
    %swap3A_106 = arith.constant 0 : index
    %swap3A_107 = vector.load %arg8[%swap3A, %swap3A_104, %swap3A_105, %swap3A_106] : memref<1x512x16x128xf32, #tpu.memory_space<vmem>>, vector<1x512x16x128xf32>
    %swap3A_108 = vector.shape_cast %swap3A_107 : vector<1x512x16x128xf32> to vector<512x16x128xf32>
    %swap3A_109 = vector.shape_cast %max3A_103 : vector<512x16x128xf32> to vector<1x512x16x128xf32>
    tpu.vector_store %arg8[%swap3A, %swap3A_104, %swap3A_105, %swap3A_106], %swap3A_109 {strides = array<i32>} : memref<1x512x16x128xf32, #tpu.memory_space<vmem>>, vector<1x512x16x128xf32>,
    return
  }
  func.func @transform_0(%arg0: i32, %arg1: i32) -> (i32, i32, i32) {
    %c0_i32 = arith.constant 0 : i32
    %c0_i32_0 = arith.constant 0 : i32
    return %arg0, %c0_i32, %arg1 : i32, i32, i32
  }
  func.func @transform_1(%arg0: i32, %arg1: i32) -> (i32, i32) {
    %mul3A = arith.constant 8 : i32
    %mul3A_0 = arith.muli %arg0, %mul3A : i32
    %add3A = arith.addi %mul3A_0, %arg1 : i32
    %c0_i32 = arith.constant 0 : i32
    %c0_i32_1 = arith.constant 0 : i32
    return %add3A, %c0_i32 : i32, i32
  }
  func.func @transform_2(%arg0: i32, %arg1: i32) -> (i32, i32) {
    %mul3A = arith.constant 8 : i32
    %mul3A_0 = arith.muli %arg0, %mul3A : i32
    %add3A = arith.addi %mul3A_0, %arg1 : i32
    %c0_i32 = arith.constant 0 : i32
    %c0_i32_1 = arith.constant 0 : i32
    return %add3A, %c0_i32 : i32, i32
  }
  func.func @transform_3(%arg0: i32, %arg1: i32) -> (i32, i32) {
    %c0_i32 = arith.constant 0 : i32
    %c0_i32_0 = arith.constant 0 : i32
    %c0_i32_1 = arith.constant 0 : i32
    return %c0_i32, %c0_i32_0 : i32, i32
  }
  func.func @transform_4(%arg0: i32, %arg1: i32) -> (i32, i32) {
    %c0_i32 = arith.constant 0 : i32
    %c0_i32_0 = arith.constant 0 : i32
    %c0_i32_1 = arith.constant 0 : i32
    return %c0_i32, %c0_i32_0 : i32, i32
  }
  func.func @transform_6(%arg0: i32, %arg1: i32) -> (i32, i32, i32, i32) {
    %c0_i32 = arith.constant 0 : i32
    %c1_i32 = arith.constant 1 : i32
    %c0_i32_0 = arith.constant 0 : i32
    return %arg0, %arg1, %c0_i32, %c1_i32 : i32, i32, i32, i32
  }
}

</mosaic_0001>

<sc_bundles>
// kernel: kernel.5.cloned.1.call-start
scs
__scs_entry_jumppad:
0x0: {  	(pc) =	sbr.rel $0x88, $3  }
0x1: {  	(tag) =	ssettag $0x0;
	lr =	simm.s32 $0x1  }
0x2: {  	[smem:$0x3F9D] =	sst lr;
	_ =	strace $0xD0000000  }
0x3: {  	_ = 	snop  }
0x4: {  	_ = 	snop  }
0x5: {  	_ = 	snop  }
0x6: {  	_ = 	snop  }
0x7: {  	_ = 	snop  }
__scs_overlays_trampoline_lowered:
0x8: {  	[smem:$0x3FAC] =	sst s0  }
0x9: {  	[smem:$0x3FAD] =	sst s1  }
0xa: {  	[smem:$0x3FAE] =	sst s2  }
0xb: {  	[smem:$0x3FAF] =	sst s3  }
0xc: {  	[smem:$0x3FB0] =	sst s4  }
0xd: {  	[smem:$0x3FB1] =	sst s5  }
0xe: {  	[smem:$0x3FB2] =	sst s6  }
0xf: {  	[smem:$0x3FB3] =	sst s7  }
0x10: {  	[smem:$0x3FB4] =	sst s8  }
0x11: {  	[smem:$0x3FB5] =	sst s9;
	s0 =	simm.s32 @!p0 $0x0  }
0x12: {  	s1 =	sld [smem:$0x3F9B];
	s0 =	simm.s32 @p0 $0x1  }
0x13: {  	[smem:$0x3FB6] =	sst s0;
	s0 =	simm.s32 @!p1 $0x0  }
0x14: {  	s2 =	sld [smem:$0x3F9A];
	s0 =	simm.s32 @p1 $0x1  }
0x15: {  	[smem:$0x3FB7] =	sst s0;
	s0 =	simm.s32 @!p2 $0x0  }
0x16: {  	s3 =	sld [smem:$0x3FDB];
	s0 =	simm.s32 @p2 $0x1  }
0x17: {  	s4 =	simm.s32 $0x1BF5;
	[smem:$0x3FB9] =	sst s0  }
0x18: {  	s0 =	sld [smem:$0x3F9C];
	_ =	swait.ge [sflag:s4], $0x0  }
0x19: {  	s7 =	sld [smem:$0x3F9D]  }
0x1a: {  	s8 =	sadd.s32 $0xFFFFE003, lr  }
0x1b: {  	s9 =	sadd.s32 $0xFFFFFEF7, lr;
	s5 =	simm.s32 $0xFFFFFFFF;
	p2 =	slt.u32 s8, $0xFFFFF086  }
0x1c: {  	p1 =	slt.u32 s9, $0xF7A;
	s5 =	simm.s32 @!p2 $0x0  }
0x1d: {  	s5 =	simm.s32 @p1 $0x1;
	p0 =	seq.s32 s7, s2  }
0x1e: {  	s7 =	smul.u32 @!p0 $0xF7A, s2;
	p2 =	seq.s32 @!p0 s5, $0x0  }
0x1f: {  	s9 =	smul.u32 $0xF7A, s1;
	s8 =	simm.s32 @!p0 $0x1BF5;
	p2 =	por !p2, p0  }
0x20: {  	[sflag:s8] =	ssyncset.s32 @!p0 $0xFFFFF086;
	s6 =	sadd.s32 @!p0 s3, s7;
	s7 =	simm.s32 @!p0 $0x108  }
0x21: {  	s3 =	sadd.s32 s3, s9;
	s6 =	sadd.s32 @!p0 $0x88, s6;
	s7 =	simm.s32 @p2 $0x1082  }
0x22: {  	[simem:s7], [sflag:s8] =	dma.local @!p0 [hbm:s6], $0xF7A  }
0x23: {  	s9 =	sor.u32 $0xD0000000, s2;
	s6 =	simm.s32 $0x108;
	_ =	swait.ge @!p0 [sflag:s8], $0x0  }
0x24: {  	s3 =	sadd.s32 $0x88, s3;
	s6 =	simm.s32 @!p1 $0x1082;
	[sflag:s4] =	ssyncset.s32 $0xFFFFF086  }
0x25: {  	[simem:s6], [sflag:s4] =	dma.local [hbm:s3], $0xF7A  }
0x26: {  	[smem:$0x3F9D] =	sst s1;
	(tag) =	ssettag s2;
	_ =	strace s9  }
0x27: {  	s1 =	sld [smem:$0x3FAD]  }
0x28: {  	s2 =	sld [smem:$0x3FAE]  }
0x29: {  	s4 =	sld [smem:$0x3FB0]  }
0x2a: {  	p0 =	seq.s32 s5, $0x0;
	s5 =	sld [smem:$0x3FB1]  }
0x2b: {  	s6 =	sld [smem:$0x3FB2]  }
0x2c: {  	s7 =	sld [smem:$0x3FB3]  }
0x2d: {  	s3 =	simm.s32 $0x108;
	s8 =	sld [smem:$0x3FB4]  }
0x2e: {  	s3 =	simm.s32 @!p0 $0x1082;
	s9 =	sld [smem:$0x3FB5]  }
0x2f: {  	lr =	sadd.s32 s0, s3;
	s0 =	sld [smem:$0x3FAC]  }
0x30: {  	s3 =	sld [smem:$0x3FAF]  }
0x31: {  	[smem:$0x3FB8] =	sst s10  }
0x32: {  	s10 =	sld [smem:$0x3FB6];
	_ =	sdelay $0x3  }
0x33: {  	p0 =	seq.s32 s10, $0x1;
	s10 =	sld [smem:$0x3FB8];
	_ =	sdelay $0x3  }
0x34: {  	[smem:$0x3FB8] =	sst s10  }
0x35: {  	s10 =	sld [smem:$0x3FB7];
	_ =	sdelay $0x3  }
0x36: {  	p1 =	seq.s32 s10, $0x1;
	s10 =	sld [smem:$0x3FB8];
	_ =	sdelay $0x3  }
0x37: {  	[smem:$0x3FB8] =	sst s10  }
0x38: {  	s10 =	sld [smem:$0x3FB9]  }
0x39: {  	_ = 	snop;
	(pc) =	sbr.ind lr, $3  }
0x3a: {  	_ = 	snop  }
0x3b: {  	_ = 	snop  }
0x3c: {  	p2 =	seq.s32 s10, $0x1;
	s10 =	sld [smem:$0x3FB8]  }
0x3d: {  	_ =	shalt  }
0x3e: {  	_ =	shalt  }
0x3f: {  	_ =	shalt  }
0x40: {  	_ =	shalt  }
0x41: {  	_ =	shalt  }
0x42: {  	_ =	shalt  }
0x43: {  	_ =	shalt  }
0x44: {  	_ =	shalt  }
0x45: {  	_ =	shalt  }
0x46: {  	_ =	shalt  }
0x47: {  	_ =	shalt  }
0x48: {  	_ =	shalt  }
0x49: {  	_ =	shalt  }
0x4a: {  	_ =	shalt  }
0x4b: {  	_ =	shalt  }
0x4c: {  	_ =	shalt  }
0x4d: {  	_ =	shalt  }
0x4e: {  	_ =	shalt  }
0x4f: {  	_ =	shalt  }
0x50: {  	_ =	shalt  }
0x51: {  	_ =	shalt  }
0x52: {  	_ =	shalt  }
0x53: {  	_ =	shalt  }
0x54: {  	_ =	shalt  }
0x55: {  	_ =	shalt  }
0x56: {  	_ =	shalt  }
0x57: {  	_ =	shalt  }
0x58: {  	_ =	shalt  }
0x59: {  	_ =	shalt  }
0x5a: {  	_ =	shalt  }
0x5b: {  	_ =	shalt  }
0x5c: {  	_ =	shalt  }
0x5d: {  	_ =	shalt  }
0x5e: {  	_ =	shalt  }
0x5f: {  	_ =	shalt  }
0x60: {  	_ =	shalt  }
0x61: {  	_ =	shalt  }
0x62: {  	_ =	shalt  }
0x63: {  	_ =	shalt  }
0x64: {  	_ =	shalt  }
0x65: {  	_ =	shalt  }
0x66: {  	_ =	shalt  }
0x67: {  	_ =	shalt  }
0x68: {  	_ =	shalt  }
0x69: {  	_ =	shalt  }
0x6a: {  	_ =	shalt  }
0x6b: {  	_ =	shalt  }
0x6c: {  	_ =	shalt  }
0x6d: {  	_ =	shalt  }
0x6e: {  	_ =	shalt  }
0x6f: {  	_ =	shalt  }
0x70: {  	_ =	shalt  }
0x71: {  	_ =	shalt  }
0x72: {  	_ =	shalt  }
0x73: {  	_ =	shalt  }
0x74: {  	_ =	shalt  }
0x75: {  	_ =	shalt  }
0x76: {  	_ =	shalt  }
0x77: {  	_ =	shalt  }
0x78: {  	_ =	shalt  }
0x79: {  	_ =	shalt  }
0x7a: {  	_ =	shalt  }
0x7b: {  	_ =	shalt  }
0x7c: {  	_ =	shalt  }
0x7d: {  	_ =	shalt  }
0x7e: {  	_ =	shalt  }
0x7f: {  	_ =	shalt  }
0x80: {  	_ =	shalt  }
0x81: {  	_ =	shalt  }
0x82: {  	_ =	shalt  }
0x83: {  	_ =	shalt  }
0x84: {  	_ =	shalt  }
0x85: {  	_ =	shalt  }
0x86: {  	_ =	shalt  }
0x87: {  	_ =	shalt  }
.Lfunc_end0:
.L_simem_size_0:
called_computation_lowered:
.L_overlay_start_0:
0x88: {  	s2 =	sld [smem:$0x3FD9]  }
0x89: {  	s3 =	sld [smem:$0x3FFE];
	_ =	sdelay $0x1  }
0x8a: {  	s1 =	srdreg.scid  }
0x8b: {  	s0 =	sand.u32 $0x1, s1  }
0x8c: {  	s17 =	sshll.u32 s0, $0xA;
	s2 =	sadd.s32 s3, s2  }
0x8d: {  	s2 =	sadd.s32 s2, s17  }
0x8e: {  	[smem:$0x3FC4] =	sst s2  }
0x8f: {  	_ = 	snop  }
0x90: {  	s2 =	sld [smem:$0x3FC8]  }
0x91: {  	s18 =	sld [smem:$0x3FD0];
	(tm) =	ssettm $0x1  }
0x92: {  	s4 =	sld [smem:$0x3FFB];
	_ =	sdelay $0x3  }
0x93: {  	_ =	strace s4  }
0x94: {  	s4 =	sld [smem:$0x3FFC];
	_ =	sdelay $0x3  }
0x95: {  	_ =	strace s4  }
0x96: {  	s4 =	sld [smem:$0x3FFD];
	_ =	sdelay $0x3  }
0x97: {  	_ =	strace s4  }
0x98: {  	_ =	strace $0x8FFFFFFF  }
0x99: {  	s19 =	sld [smem:$0x3FDB];
	_ =	sdelay $0x1  }
0x9a: {  	s5 =	simm.s32 $_scs_section_size  }
0x9b: {  	s6 =	simm.s32 $_size__tile_overlayer_lowered;
	s7 =	simm.s32 $_tile_overlayer_lowered  }
0x9c: {  	s22 =	simm.s32 $0x1BFF;
	s21 =	sshll.u32 s7, $0x1;
	s4 =	sadd.s32 s5, s19  }
0x9d: {  	s8 =	simm.s32 $0x0;
	s20 =	sshll.u32 s6, $0x1;
	s6 =	sadd.s32 s21, s4  }
0x9e: {  	[timem:s8], [sflag:s22] =	dma.local [hbm:s6], s20  }
0x9f: {  	_ =	swait.ge [sflag:s22], s20  }
0xa0: {  	s5 =	ssub.s32 $0x0, s20;
	[sflag:s22] =	ssyncset.done $0x0  }
0xa1: {  	[sflag:s22] =	ssyncadd.s32 s5;
	_ =	sdelay $0x1  }
0xa2: {  	s23 =	simm.s32 $0x1B8B  }
0xa3: {  	_ =	swait.ge [sflag:s23], $0x1  }
0xa4: {  	[sflag:s23] =	ssyncset.done $0x0  }
0xa5: {  	s25 =	simm.s32 $0x1B8E;
	s24 =	sld [smem:$0x3FFE];
	[sflag:s23] =	ssyncadd.s32 $0xFFFFFFFF  }
0xa6: {  	s26 =	simm.s32 $execute0_lowered;
	[smem:$0x3FD2] =	sst s25  }
0xa7: {  	s6 =	sshll.u32 s26, $0x1;
	_ =	strace $0x80000046;
	[dreg:$0x1] =	wrdreg $0xFFFFFFFF  }
0xa8: {  	s28 =	simm.s32 $_size_execute0_lowered;
	s4 =	sadd.s32 s4, s6;
	[dreg:$0x0] =	wrdreg $0x0  }
0xa9: {  	s6 =	sshll.u32 s28, $0x1;
	[dreg:$0x2] =	wrdreg s4  }
0xaa: {  	[dreg:$0x3] =	wrdreg s6  }
0xab: {  	[dreg:$0x4] =	wrdreg $0xC0  }
0xac: {  	_ =	task [dreg:s8], $0x5FFFF  }
0xad: {  	[dreg:$0x1] =	wrdreg $0xFFFFFFFF  }
0xae: {  	[dreg:$0x0] =	wrdreg $0x60  }
0xaf: {  	[dreg:$0x2] =	wrdreg s2  }
0xb0: {  	[dreg:$0x3] =	wrdreg s24  }
0xb1: {  	[dreg:$0x4] =	wrdreg s18  }
0xb2: {  	[dreg:$0x5] =	wrdreg $0x9  }
0xb3: {  	_ =	task.clear_ibuf [dreg:s8], $0x6FFFF;
	_ =	strace $0x90000046  }
0xb4: {  	s29 =	simm.s32 $0x9;
	_ =	strace $0x80000048  }
0xb5: {  	_ =	swait.ge [sflag:s29], $0x1  }
0xb6: {  	[sflag:s29] =	ssyncadd.s32 $0xFFFFFFFF  }
0xb7: {  	_ =	strace $0x90000048  }
0xb8: {  	_ =	sfence  }
0xb9: {  	s30 =	sld [smem:$0x0];
	_ =	sdelay $0x2  }
0xba: {  	s31 =	sshll.u32 s1, $0xD;
	s1 =	sshrl.u32 s1, $0x2  }
0xbb: {  	s3 =	sand.u32 $0x4000, s31;
	s1 =	sadd.s32 s1, s30  }
0xbc: {  	s0 =	sor.u32 s3, s0;
	s1 =	sshll.u32 s1, $0x11  }
0xbd: {  	s0 =	sor.u32 s1, s0  }
0xbe: {  	s0 =	sadd.s32 $0x8F2B, s0  }
0xbf: {  	[sflag:s0] =	ssyncadd.remote.s32 $0x1  }
0xc0: {  	_ =	sfence.sel $0xFFFF  }
0xc1: {  	[dreg:$0x0] =	wrdreg $0xFFFFFFFF;
	(pc) =	sbr.abs _section_cstart, $3  }
0xc2: {  	[dreg:$0x1] =	wrdreg $0xFFFFFFFF  }
0xc3: {  	_ =	task.clear_ibuf [dreg:s8], $0x2FFFF;
	_ =	strace $0x9FFFFFFF  }
0xc4: {  	(tm) =	ssettm $0x7FFFFFFF  }
0xc5: {  	_ =	shalt  }
tec
execute0_lowered:
.L_overlay_start_1:
0x0: {  	(tag) =	ssettag $0x1  }
0x1: {  	s1 =	rddreg [dreg:$0x0]  }
0x2: {  	s6 =	rddreg [dreg:$0x1]  }
0x3: {  	s7 =	rddreg [dreg:$0x2]  }
0x4: {  	s0 =	rddreg [dreg:$0x3];
	s2 =	simm.s32 $0x0;
	s3 =	srdreg.scid  }
0x5: {  	s13 =	simm.s32 $0x80;
	s14 =	simm.s32 $0x1;
	s15 =	simm.s32 $0x400  }
0x6: {  	s16 =	simm.s32 $0x800;
	s17 =	simm.s32 $0x8080;
	s18 =	simm.s32 $0x8100  }
0x7: {  	s19 =	simm.s32 $0x0;
	[smem:$0x7FF] =	sst s2;
	s8 =	sand.u32 $0x1, s3  }
0x8: {  	s4 =	sadd.s32 $0x5000, s6;
	s3 =	stileid.u32;
	s5 =	sadd.s32 $0x1000, s6  }
0x9: {  	_ =	strace $0x80000047;
	s9 =	ssub.s32 $0x2, s8;
	s10 =	sshll.u32 s3, $0xA  }
0xa: {  	s28 =	sshll.u32 s3, $0x12;
	s29 =	sshll.u32 s8, $0x11;
	s30 =	sshll.u32 s8, $0x9  }
0xb: {  	s11 =	sshrl.u32 s9, $0x1;
	s12 =	sadd.s32 s10, s6;
	s7 =	sadd.s32 s28, s7  }
0xc: {  	s10 =	sor.u32 s30, s10;
	s26 =	ssub.s32 s9, s11;
	s7 =	sadd.s32 s29, s7  }
0xd: {  	s31 =	sadd.s32 s30, s12;
	s11 =	simm.s32 $0x4080;
	s12 =	simm.s32 $0x2  }
0xe: {  	s6 =	smax.u32 s26, $0x1;
	s8 =	sadd.s32 $0x5800, s31;
	s9 =	sadd.s32 $0x9800, s31  }
.LBB2_1:
0xf: {  	[tilespmem:s11], [sflag:$0x2] =	stream.linear.gather [hbm4b:s4+s2], $0x4000, $0x38;
	[tilespmem:$0x8180] =	vst v63  }
0x10: {  	s20 =	sadd.s32 $0x0, s10;
	s21 =	sand.u32 $0x70, s2;
	_ =	swait.ge [sflag:s12], $0x4000  }
0x11: {  	s20 =	sand.u32 $0x3F80, s20;
	s21 =	sadd.s32 s5, s21;
	[sflag:s12] =	ssyncset.done $0x0  }
0x12: {  	s20 =	sadd.s32 s20, s21;
	[sflag:s12] =	ssyncadd.s32 $0xFFFFC000  }
0x13: {  	[tilespmem:s2], [sflag:$0x2] =	stream.linear.gather [hbm4b:s20+s2], $0x80, $0x38;
	[tilespmem:$0x8180] =	vst v63  }
0x14: {  	_ =	swait.ge [sflag:s12], $0x80  }
0x15: {  	[sflag:s12] =	ssyncset.done $0x0  }
0x16: {  	[sflag:s12] =	ssyncadd.s32 $0xFFFFFF80  }
0x17: {  	[tilespmem:s13], [sflag:$0x1] =	stream.indirect.gather [hbm4b:s1+s13], $0x80, s2, s13, $0xb8;
	[tilespmem:$0x8180] =	vst v63  }
0x18: {  	v0 =	vld [tilespmem:$0x0];
	_ =	sdelay $0x4  }
0x19: {  	v0 =	vshll.u32 v0, $0x1;
	_ =	sdelay $0x4  }
0x1a: {  	v1 =	vld.idx.msk [tilespmem:v0+s11+$0x0], $0xffff  }
0x1b: {  	v0 =	vor.u32 $0x1, v0  }
0x1c: {  	v2 =	vld [tilespmem:$0x10];
	_ =	sdelay $0x2  }
0x1d: {  	[tilespmem:$0x8080] =	vst v1  }
0x1e: {  	v0 =	vld.idx.msk [tilespmem:v0+s11+$0x0], $0xffff  }
0x1f: {  	v51 =	vshll.u32 v2, $0x1;
	_ =	sdelay $0x3  }
0x20: {  	[tilespmem:$0x8100] =	vst v0  }
0x21: {  	v0 =	vld.idx.msk [tilespmem:v51+s11+$0x0], $0xffff  }
0x22: {  	v1 =	vor.u32 $0x1, v51  }
0x23: {  	v52 =	vld [tilespmem:$0x20];
	_ =	sdelay $0x2  }
0x24: {  	[tilespmem:$0x8090] =	vst v0  }
0x25: {  	v0 =	vld.idx.msk [tilespmem:v1+s11+$0x0], $0xffff  }
0x26: {  	v53 =	vshll.u32 v52, $0x1;
	_ =	sdelay $0x3  }
0x27: {  	[tilespmem:$0x8110] =	vst v0  }
0x28: {  	v0 =	vld.idx.msk [tilespmem:v53+s11+$0x0], $0xffff  }
0x29: {  	v1 =	vor.u32 $0x1, v53  }
0x2a: {  	v54 =	vld [tilespmem:$0x30];
	_ =	sdelay $0x2  }
0x2b: {  	[tilespmem:$0x80A0] =	vst v0  }
0x2c: {  	v0 =	vld.idx.msk [tilespmem:v1+s11+$0x0], $0xffff  }
0x2d: {  	v55 =	vshll.u32 v54, $0x1;
	_ =	sdelay $0x3  }
0x2e: {  	[tilespmem:$0x8120] =	vst v0  }
0x2f: {  	v0 =	vld.idx.msk [tilespmem:v55+s11+$0x0], $0xffff  }
0x30: {  	v1 =	vor.u32 $0x1, v55  }
0x31: {  	v56 =	vld [tilespmem:$0x40];
	_ =	sdelay $0x2  }
0x32: {  	[tilespmem:$0x80B0] =	vst v0  }
0x33: {  	v0 =	vld.idx.msk [tilespmem:v1+s11+$0x0], $0xffff  }
0x34: {  	v57 =	vshll.u32 v56, $0x1;
	_ =	sdelay $0x3  }
0x35: {  	[tilespmem:$0x8130] =	vst v0  }
0x36: {  	v0 =	vld.idx.msk [tilespmem:v57+s11+$0x0], $0xffff  }
0x37: {  	v1 =	vor.u32 $0x1, v57  }
0x38: {  	v58 =	vld [tilespmem:$0x50];
	_ =	sdelay $0x2  }
0x39: {  	[tilespmem:$0x80C0] =	vst v0  }
0x3a: {  	v0 =	vld.idx.msk [tilespmem:v1+s11+$0x0], $0xffff  }
0x3b: {  	v59 =	vshll.u32 v58, $0x1;
	_ =	sdelay $0x3  }
0x3c: {  	[tilespmem:$0x8140] =	vst v0  }
0x3d: {  	v0 =	vld.idx.msk [tilespmem:v59+s11+$0x0], $0xffff  }
0x3e: {  	v1 =	vor.u32 $0x1, v59  }
0x3f: {  	v60 =	vld [tilespmem:$0x60];
	_ =	sdelay $0x2  }
0x40: {  	[tilespmem:$0x80D0] =	vst v0  }
0x41: {  	v0 =	vld.idx.msk [tilespmem:v1+s11+$0x0], $0xffff  }
0x42: {  	v61 =	vshll.u32 v60, $0x1;
	_ =	sdelay $0x3  }
0x43: {  	[tilespmem:$0x8150] =	vst v0  }
0x44: {  	v0 =	vld.idx.msk [tilespmem:v61+s11+$0x0], $0xffff  }
0x45: {  	v1 =	vor.u32 $0x1, v61  }
0x46: {  	v62 =	vld [tilespmem:$0x70];
	_ =	sdelay $0x2  }
0x47: {  	[tilespmem:$0x80E0] =	vst v0  }
0x48: {  	v0 =	vld.idx.msk [tilespmem:v1+s11+$0x0], $0xffff  }
0x49: {  	v63 =	vshll.u32 v62, $0x1;
	_ =	sdelay $0x3  }
0x4a: {  	[tilespmem:$0x8160] =	vst v0  }
0x4b: {  	v0 =	vld.idx.msk [tilespmem:v63+s11+$0x0], $0xffff  }
0x4c: {  	v1 =	vor.u32 $0x1, v63;
	_ =	sdelay $0x3  }
0x4d: {  	[tilespmem:$0x80F0] =	vst v0  }
0x4e: {  	v0 =	vld.idx.msk [tilespmem:v1+s11+$0x0], $0xffff;
	_ =	sdelay $0x4  }
0x4f: {  	[tilespmem:$0x8170] =	vst v0  }
0x50: {  	_ =	swait.ge [sflag:s14], $0x4000  }
0x51: {  	[sflag:s14] =	ssyncset.done $0x0  }
0x52: {  	[sflag:s14] =	ssyncadd.s32 $0xFFFFC000  }
0x53: {  	[hbm4b:s7+s15] =	stream.strided.scatter [tilespmem:s13], [sflag:$0x2], $0x4000, s16, s15, $0x38;
	[tilespmem:$0x8180] =	vst v63  }
0x54: {  	_ =	swait.ge [sflag:s12], $0x4000  }
0x55: {  	[sflag:s12] =	ssyncset.done $0x0  }
0x56: {  	s30 =	sadd.s32 $0x0, s8;
	[sflag:s12] =	ssyncadd.s32 $0xFFFFC000  }
0x57: {  	[hbm4b:s30+s2] =	stream.linear.scatter [tilespmem:s17], [sflag:$0x2], $0x80, $0x38;
	[tilespmem:$0x8180] =	vst v63  }
0x58: {  	_ =	swait.ge [sflag:s12], $0x80  }
0x59: {  	s24 =	simm.s32 $0x20;
	s22 =	sadd.s32 $0x0, s9;
	[sflag:s12] =	ssyncset.done $0x0  }
0x5a: {  	s31 =	sadd.s32 $0x10, s10;
	s20 =	simm.s32 $0x10;
	[sflag:s12] =	ssyncadd.s32 $0xFFFFFF80  }
0x5b: {  	[hbm4b:s22+s2] =	stream.linear.scatter [tilespmem:s18], [sflag:$0x2], $0x80, $0x38;
	[tilespmem:$0x8180] =	vst v63  }
0x5c: {  	s23 =	sand.u32 $0x3F80, s31;
	s25 =	sand.u32 $0x70, s20;
	_ =	swait.ge [sflag:s12], $0x80  }
0x5d: {  	s21 =	sadd.s32 $0x1000, s7;
	s25 =	sadd.s32 s5, s25;
	[sflag:s12] =	ssyncset.done $0x0  }
.LBB2_2:
0x5e: {  	s25 =	sadd.s32 s23, s25;
	[sflag:s12] =	ssyncadd.s32 $0xFFFFFF80  }
0x5f: {  	s23 =	smov.u32 s20;
	s20 =	smov.u32 s24;
	s22 =	sadd.s32 $0x10, s24  }
0x60: {  	[tilespmem:s2], [sflag:$0x2] =	stream.linear.gather [hbm4b:s25+s2], $0x80, $0x38;
	[tilespmem:$0x8180] =	vst v63  }
0x61: {  	p0 =	sne.s32 s24, $0x1F0;
	_ =	swait.ge [sflag:s12], $0x80  }
0x62: {  	[sflag:s12] =	ssyncset.done $0x0  }
0x63: {  	[sflag:s12] =	ssyncadd.s32 $0xFFFFFF80  }
0x64: {  	[tilespmem:s13], [sflag:$0x1] =	stream.indirect.gather [hbm4b:s1+s13], $0x80, s2, s13, $0xb8;
	[tilespmem:$0x8180] =	vst v63  }
0x65: {  	v0 =	vld [tilespmem:$0x0]  }
0x66: {  	v1 =	vld [tilespmem:$0x10]  }
0x67: {  	v2 =	vld [tilespmem:$0x20]  }
0x68: {  	v3 =	vld [tilespmem:$0x30]  }
0x69: {  	v4 =	vld [tilespmem:$0x40]  }
0x6a: {  	v5 =	vshll.u32 v0, $0x1;
	v6 =	vld [tilespmem:$0x50]  }
0x6b: {  	v7 =	vld [tilespmem:$0x60]  }
0x6c: {  	v0 =	vld [tilespmem:$0x70];
	_ =	sdelay $0x2  }
0x6d: {  	v8 =	vld.idx.msk [tilespmem:v5+s11+$0x0], $0xffff;
	_ =	sdelay $0x1  }
0x6e: {  	v5 =	vor.u32 $0x1, v5;
	_ =	sdelay $0x3  }
0x6f: {  	[tilespmem:$0x8080] =	vst v8  }
0x70: {  	v5 =	vld.idx.msk [tilespmem:v5+s11+$0x0], $0xffff;
	_ =	sdelay $0x1  }
0x71: {  	v1 =	vshll.u32 v1, $0x1;
	_ =	sdelay $0x3  }
0x72: {  	[tilespmem:$0x8100] =	vst v5  }
0x73: {  	v5 =	vld.idx.msk [tilespmem:v1+s11+$0x0], $0xffff;
	_ =	sdelay $0x1  }
0x74: {  	v1 =	vor.u32 $0x1, v1;
	_ =	sdelay $0x3  }
0x75: {  	[tilespmem:$0x8090] =	vst v5  }
0x76: {  	v1 =	vld.idx.msk [tilespmem:v1+s11+$0x0], $0xffff;
	_ =	sdelay $0x1  }
0x77: {  	v2 =	vshll.u32 v2, $0x1;
	_ =	sdelay $0x3  }
0x78: {  	[tilespmem:$0x8110] =	vst v1  }
0x79: {  	v1 =	vld.idx.msk [tilespmem:v2+s11+$0x0], $0xffff;
	_ =	sdelay $0x1  }
0x7a: {  	v2 =	vor.u32 $0x1, v2;
	_ =	sdelay $0x3  }
0x7b: {  	[tilespmem:$0x80A0] =	vst v1  }
0x7c: {  	v1 =	vld.idx.msk [tilespmem:v2+s11+$0x0], $0xffff;
	_ =	sdelay $0x1  }
0x7d: {  	v2 =	vshll.u32 v3, $0x1;
	_ =	sdelay $0x3  }
0x7e: {  	[tilespmem:$0x8120] =	vst v1  }
0x7f: {  	v1 =	vld.idx.msk [tilespmem:v2+s11+$0x0], $0xffff;
	_ =	sdelay $0x1  }
0x80: {  	v2 =	vor.u32 $0x1, v2;
	_ =	sdelay $0x3  }
0x81: {  	[tilespmem:$0x80B0] =	vst v1  }
0x82: {  	v1 =	vld.idx.msk [tilespmem:v2+s11+$0x0], $0xffff;
	_ =	sdelay $0x1  }
0x83: {  	v2 =	vshll.u32 v4, $0x1;
	_ =	sdelay $0x3  }
0x84: {  	[tilespmem:$0x8130] =	vst v1  }
0x85: {  	v1 =	vld.idx.msk [tilespmem:v2+s11+$0x0], $0xffff;
	_ =	sdelay $0x1  }
0x86: {  	v2 =	vor.u32 $0x1, v2;
	_ =	sdelay $0x3  }
0x87: {  	[tilespmem:$0x80C0] =	vst v1  }
0x88: {  	v1 =	vld.idx.msk [tilespmem:v2+s11+$0x0], $0xffff;
	_ =	sdelay $0x1  }
0x89: {  	v2 =	vshll.u32 v6, $0x1;
	_ =	sdelay $0x3  }
0x8a: {  	[tilespmem:$0x8140] =	vst v1  }
0x8b: {  	v1 =	vld.idx.msk [tilespmem:v2+s11+$0x0], $0xffff;
	_ =	sdelay $0x1  }
0x8c: {  	v2 =	vor.u32 $0x1, v2;
	_ =	sdelay $0x3  }
0x8d: {  	[tilespmem:$0x80D0] =	vst v1  }
0x8e: {  	v1 =	vld.idx.msk [tilespmem:v2+s11+$0x0], $0xffff;
	_ =	sdelay $0x1  }
0x8f: {  	v2 =	vshll.u32 v7, $0x1;
	_ =	sdelay $0x3  }
0x90: {  	[tilespmem:$0x8150] =	vst v1  }
0x91: {  	v1 =	vld.idx.msk [tilespmem:v2+s11+$0x0], $0xffff;
	_ =	sdelay $0x1  }
0x92: {  	v2 =	vor.u32 $0x1, v2;
	_ =	sdelay $0x3  }
0x93: {  	[tilespmem:$0x80E0] =	vst v1  }
0x94: {  	v1 =	vld.idx.msk [tilespmem:v2+s11+$0x0], $0xffff;
	_ =	sdelay $0x1  }
0x95: {  	v0 =	vshll.u32 v0, $0x1;
	_ =	sdelay $0x3  }
0x96: {  	[tilespmem:$0x8160] =	vst v1  }
0x97: {  	v1 =	vld.idx.msk [tilespmem:v0+s11+$0x0], $0xffff;
	_ =	sdelay $0x1  }
0x98: {  	v0 =	vor.u32 $0x1, v0;
	_ =	sdelay $0x3  }
0x99: {  	[tilespmem:$0x80F0] =	vst v1  }
0x9a: {  	v0 =	vld.idx.msk [tilespmem:v0+s11+$0x0], $0xffff;
	_ =	sdelay $0x5  }
0x9b: {  	[tilespmem:$0x8170] =	vst v0  }
0x9c: {  	_ =	swait.ge [sflag:s14], $0x4000  }
0x9d: {  	[sflag:s14] =	ssyncset.done $0x0  }
0x9e: {  	[sflag:s14] =	ssyncadd.s32 $0xFFFFC000  }
0x9f: {  	[hbm4b:s21+s15] =	stream.strided.scatter [tilespmem:s13], [sflag:$0x2], $0x4000, s16, s15, $0x38;
	[tilespmem:$0x8180] =	vst v63  }
0xa0: {  	_ =	swait.ge [sflag:s12], $0x4000  }
0xa1: {  	[sflag:s12] =	ssyncset.done $0x0  }
0xa2: {  	s24 =	sadd.s32 s23, s8;
	[sflag:s12] =	ssyncadd.s32 $0xFFFFC000  }
0xa3: {  	[hbm4b:s24+s2] =	stream.linear.scatter [tilespmem:s17], [sflag:$0x2], $0x80, $0x38;
	[tilespmem:$0x8180] =	vst v63  }
0xa4: {  	_ =	swait.ge [sflag:s12], $0x80  }
.Ltmp0:
0xa5: {  	s23 =	sadd.s32 s23, s9;
	[sflag:s12] =	ssyncset.done $0x0;
	(pc) =	sbr.rel @p0 .LBB2_2-.Ltmp0, $4  }
0xa6: {  	s21 =	sadd.s32 $0x1000, s21;
	s24 =	sand.u32 $0x70, s20;
	[sflag:s12] =	ssyncadd.s32 $0xFFFFFF80  }
0xa7: {  	[hbm4b:s23+s2] =	stream.linear.scatter [tilespmem:s18], [sflag:$0x2], $0x80, $0x38;
	[tilespmem:$0x8180] =	vst v63  }
0xa8: {  	s25 =	sadd.s32 s5, s24;
	s23 =	sadd.s32 s20, s10;
	_ =	swait.ge [sflag:s12], $0x80  }
0xa9: {  	s24 =	smov.u32 s22;
	s23 =	sand.u32 $0x3F80, s23;
	[sflag:s12] =	ssyncset.done $0x0  }
0xaa: {  	s22 =	sadd.s32 s23, s25;
	[sflag:s12] =	ssyncadd.s32 $0xFFFFFF80  }
0xab: {  	[tilespmem:s2], [sflag:$0x2] =	stream.linear.gather [hbm4b:s22+s2], $0x80, $0x38;
	[tilespmem:$0x8180] =	vst v63  }
0xac: {  	_ =	swait.ge [sflag:s12], $0x80  }
0xad: {  	[sflag:s12] =	ssyncset.done $0x0  }
0xae: {  	[sflag:s12] =	ssyncadd.s32 $0xFFFFFF80  }
0xaf: {  	[tilespmem:s13], [sflag:$0x1] =	stream.indirect.gather [hbm4b:s1+s13], $0x80, s2, s13, $0xb8;
	[tilespmem:$0x8180] =	vst v63  }
0xb0: {  	v0 =	vld [tilespmem:$0x0];
	_ =	sdelay $0x4  }
0xb1: {  	v0 =	vshll.u32 v0, $0x1;
	_ =	sdelay $0x4  }
0xb2: {  	v1 =	vld.idx.msk [tilespmem:v0+s11+$0x0], $0xffff  }
0xb3: {  	v0 =	vor.u32 $0x1, v0  }
0xb4: {  	v2 =	vld [tilespmem:$0x10];
	_ =	sdelay $0x2  }
0xb5: {  	[tilespmem:$0x8080] =	vst v1  }
0xb6: {  	v0 =	vld.idx.msk [tilespmem:v0+s11+$0x0], $0xffff  }
0xb7: {  	v51 =	vshll.u32 v2, $0x1;
	_ =	sdelay $0x3  }
0xb8: {  	[tilespmem:$0x8100] =	vst v0  }
0xb9: {  	v0 =	vld.idx.msk [tilespmem:v51+s11+$0x0], $0xffff  }
0xba: {  	v1 =	vor.u32 $0x1, v51  }
0xbb: {  	v52 =	vld [tilespmem:$0x20];
	_ =	sdelay $0x2  }
0xbc: {  	[tilespmem:$0x8090] =	vst v0  }
0xbd: {  	v0 =	vld.idx.msk [tilespmem:v1+s11+$0x0], $0xffff  }
0xbe: {  	v53 =	vshll.u32 v52, $0x1;
	_ =	sdelay $0x3  }
0xbf: {  	[tilespmem:$0x8110] =	vst v0  }
0xc0: {  	v0 =	vld.idx.msk [tilespmem:v53+s11+$0x0], $0xffff  }
0xc1: {  	v1 =	vor.u32 $0x1, v53  }
0xc2: {  	v54 =	vld [tilespmem:$0x30];
	_ =	sdelay $0x2  }
0xc3: {  	[tilespmem:$0x80A0] =	vst v0  }
0xc4: {  	v0 =	vld.idx.msk [tilespmem:v1+s11+$0x0], $0xffff  }
0xc5: {  	v55 =	vshll.u32 v54, $0x1;
	_ =	sdelay $0x3  }
0xc6: {  	[tilespmem:$0x8120] =	vst v0  }
0xc7: {  	v0 =	vld.idx.msk [tilespmem:v55+s11+$0x0], $0xffff  }
0xc8: {  	v1 =	vor.u32 $0x1, v55  }
0xc9: {  	v56 =	vld [tilespmem:$0x40];
	_ =	sdelay $0x2  }
0xca: {  	[tilespmem:$0x80B0] =	vst v0  }
0xcb: {  	v0 =	vld.idx.msk [tilespmem:v1+s11+$0x0], $0xffff  }
0xcc: {  	v57 =	vshll.u32 v56, $0x1;
	_ =	sdelay $0x3  }
0xcd: {  	[tilespmem:$0x8130] =	vst v0  }
0xce: {  	v0 =	vld.idx.msk [tilespmem:v57+s11+$0x0], $0xffff  }
0xcf: {  	v1 =	vor.u32 $0x1, v57  }
0xd0: {  	v58 =	vld [tilespmem:$0x50];
	_ =	sdelay $0x2  }
0xd1: {  	[tilespmem:$0x80C0] =	vst v0  }
0xd2: {  	v0 =	vld.idx.msk [tilespmem:v1+s11+$0x0], $0xffff  }
0xd3: {  	v59 =	vshll.u32 v58, $0x1;
	_ =	sdelay $0x3  }
0xd4: {  	[tilespmem:$0x8140] =	vst v0  }
0xd5: {  	v0 =	vld.idx.msk [tilespmem:v59+s11+$0x0], $0xffff  }
0xd6: {  	v1 =	vor.u32 $0x1, v59  }
0xd7: {  	v60 =	vld [tilespmem:$0x60];
	_ =	sdelay $0x2  }
0xd8: {  	[tilespmem:$0x80D0] =	vst v0  }
0xd9: {  	v0 =	vld.idx.msk [tilespmem:v1+s11+$0x0], $0xffff  }
0xda: {  	v61 =	vshll.u32 v60, $0x1;
	_ =	sdelay $0x3  }
0xdb: {  	[tilespmem:$0x8150] =	vst v0  }
0xdc: {  	v0 =	vld.idx.msk [tilespmem:v61+s11+$0x0], $0xffff  }
0xdd: {  	v1 =	vor.u32 $0x1, v61  }
0xde: {  	v62 =	vld [tilespmem:$0x70];
	_ =	sdelay $0x2  }
0xdf: {  	[tilespmem:$0x80E0] =	vst v0  }
0xe0: {  	v0 =	vld.idx.msk [tilespmem:v1+s11+$0x0], $0xffff  }
0xe1: {  	v63 =	vshll.u32 v62, $0x1;
	_ =	sdelay $0x3  }
0xe2: {  	[tilespmem:$0x8160] =	vst v0  }
0xe3: {  	v0 =	vld.idx.msk [tilespmem:v63+s11+$0x0], $0xffff  }
0xe4: {  	v1 =	vor.u32 $0x1, v63;
	_ =	sdelay $0x3  }
0xe5: {  	[tilespmem:$0x80F0] =	vst v0  }
0xe6: {  	v0 =	vld.idx.msk [tilespmem:v1+s11+$0x0], $0xffff;
	_ =	sdelay $0x4  }
0xe7: {  	[tilespmem:$0x8170] =	vst v0  }
0xe8: {  	_ =	swait.ge [sflag:s14], $0x4000  }
0xe9: {  	[sflag:s14] =	ssyncset.done $0x0  }
0xea: {  	[sflag:s14] =	ssyncadd.s32 $0xFFFFC000  }
0xeb: {  	[hbm4b:s21+s15] =	stream.strided.scatter [tilespmem:s13], [sflag:$0x2], $0x4000, s16, s15, $0x38;
	[tilespmem:$0x8180] =	vst v63  }
0xec: {  	_ =	swait.ge [sflag:s12], $0x4000  }
0xed: {  	[sflag:s12] =	ssyncset.done $0x0  }
0xee: {  	s30 =	sadd.s32 s20, s8;
	[sflag:s12] =	ssyncadd.s32 $0xFFFFC000  }
0xef: {  	[hbm4b:s30+s2] =	stream.linear.scatter [tilespmem:s17], [sflag:$0x2], $0x80, $0x38;
	[tilespmem:$0x8180] =	vst v63  }
0xf0: {  	s19 =	sadd.s32 $0x1, s19;
	_ =	swait.ge [sflag:s12], $0x80  }
0xf1: {  	p0 =	sne.s32 s19, s6;
	[sflag:s12] =	ssyncset.done $0x0  }
.Ltmp1:
0xf2: {  	s31 =	sadd.s32 s20, s9;
	[sflag:s12] =	ssyncadd.s32 $0xFFFFFF80;
	(pc) =	sbr.rel @p0 .LBB2_1-.Ltmp1, $4  }
0xf3: {  	[hbm4b:s31+s2] =	stream.linear.scatter [tilespmem:s18], [sflag:$0x2], $0x80, $0x38;
	[tilespmem:$0x8180] =	vst v63  }
0xf4: {  	_ =	swait.ge [sflag:s12], $0x80  }
0xf5: {  	[sflag:s12] =	ssyncset.done $0x0  }
0xf6: {  	[sflag:s12] =	ssyncadd.s32 $0xFFFFFF80  }
0xf7: {  	_ =	sfence.sel $0x180000  }
0xf8: {  	[bflag:$0x0] =	sbarrier.arrive $0xFFFF  }
0xf9: {  	p0 =	sne.s32 s3, $0x0;
	_ =	strace $0x90000047  }
0xfa: {  	s0 =	sadd.s32 @!p0 $0x100000, s0;
	[bflag:$0x2] =	sbarrier.arrive $0xFFFF  }
0xfb: {  	[sflag:s0] =	ssyncadd.tile.s32 @!p0 $0x1;
	_ =	shalt  }
.Lfunc_end2:
_tile_overlayer_lowered:
.L_overlay_start_2:
0xfc: {  	(tag) =	ssettag $0x2  }
0xfd: {  	s0 =	rddreg [dreg:$0x0];
	s2 =	stileid.u32  }
0xfe: {  	s1 =	rddreg [dreg:$0x1];
	p0 =	sne.s32 s2, $0x0  }
0xff: {  	s3 =	rddreg [dreg:$0x2];
	[bflag:$0x3] =	sbarrier.arrive $0xFFFF;
	s2 =	simm.s32 @!p0 $0x1C02  }
0x100: {  	[timem:s3], [sflag:s2] =	dma.local @!p0 [hbm:s0], s1  }
0x101: {  	s0 =	simm.s32 @!p0 $0x2  }
0x102: {  	_ =	swait.ge @!p0 [sflag:s0], s1  }
0x103: {  	s1 =	ssub.s32 @!p0 $0x0, s1;
	[sflag:s0] =	ssyncset.done @!p0 $0x0  }
0x104: {  	[sflag:s0] =	ssyncadd.s32 @!p0 s1  }
0x105: {  	[bflag:$0x3] =	sbarrier.arrive $0xFFFF  }
0x106: {  	_ =	shalt  }

</sc_bundles>
